<compile_context>
chip_gen: v7x
topology: tpu7x:2x2x1
jax: 0.10.2.dev20260603
libtpu: 0.0.44.dev20260713+nightly
codegen_flags: <defaults>
</compile_context>

<pallas_src>
import functools

import jax
import jax.numpy as jnp
from jax import lax
from jax.experimental import pallas as pl
from jax.experimental.pallas import tpu as pltpu
from jax.experimental.pallas import tpu_sc as plsc

_NP = 20000
_NPAD = 20480
_NOBJ = 64
_THR = 0.6
_NW = 32
_PPW = 16


def _tc_body(pr_ref, ox1_ref, oy1_ref, ox2_ref, oy2_ref, bt_ref, pred_ref,
             sc_ref, pp_out, ca0t_out, win_out, loc_out, sco_out):
    b = pl.program_id(0)
    nb = pl.num_programs(0)

    @pl.when(b == 0)
    def _init():
        loc_out[0, 0] = 0.0
        sco_out[0, 0] = 0.0

    glob = jax.lax.broadcasted_iota(jnp.int32, (1, _NPAD), 1)
    jcol = jax.lax.broadcasted_iota(jnp.int32, (_NOBJ, _NPAD), 0)

    px1 = pr_ref[0:1, :]
    py1 = pr_ref[1:2, :]
    px2 = pr_ref[2:3, :]
    py2 = pr_ref[3:4, :]
    bx1 = ox1_ref[0]
    by1 = oy1_ref[0]
    bx2 = ox2_ref[0]
    by2 = oy2_ref[0]
    iw = jnp.maximum(jnp.minimum(bx2, px2) - jnp.maximum(bx1, px1), 0.0)
    ih = jnp.maximum(jnp.minimum(by2, py2) - jnp.maximum(by1, py1), 0.0)
    inter = iw * ih
    area_o = (bx2 - bx1) * (by2 - by1)
    area_p = (px2 - px1) * (py2 - py1)
    union = jnp.maximum(area_o + area_p - inter, 1e-10)
    iou = inter / union

    cm = jnp.max(iou, axis=0, keepdims=True)
    ca = jnp.min(jnp.where(iou == cm, jcol, _NOBJ), axis=0, keepdims=True)

    rm = jnp.max(iou, axis=1, keepdims=True)
    pfe = jnp.min(jnp.where(iou == rm, glob, _NPAD), axis=1, keepdims=True)

    match = pfe == glob
    forced = jnp.max(jnp.where(match, 1, 0), axis=0, keepdims=True) > 0
    assigned = jnp.max(jnp.where(match, jcol, -1), axis=0, keepdims=True)

    caf = ca.astype(jnp.float32)
    asgf = assigned.astype(jnp.float32)
    jrow = jax.lax.broadcasted_iota(jnp.int32, (_NOBJ, 1), 0)
    aca0 = jnp.sum(jnp.where(match, caf, 0.0), axis=1, keepdims=True)
    aasg = jnp.sum(jnp.where(match, asgf, 0.0), axis=1, keepdims=True)
    pred = pred_ref[0]
    ap = [jnp.sum(jnp.where(match, pred[i:i + 1, :], 0.0), axis=1,
                  keepdims=True) for i in range(4)]
    pp_out[...] = jnp.concatenate(ap, axis=1)
    ca0t_out[...] = b * _NOBJ + aca0.astype(jnp.int32)
    win_out[...] = (aasg.astype(jnp.int32) == jrow).astype(jnp.float32)

    oh = (jcol == ca).astype(jnp.float32)
    bt = bt_ref[0]
    tl = jax.lax.dot_general(bt, oh, (((1,), (0,)), ((), ())),
                             preferred_element_type=jnp.float32)
    valid = glob < _NP
    loc_out[0, 0] += jnp.sum(jnp.where(valid, jnp.abs(pred - tl), 0.0))

    @pl.when(b == nb - 1)
    def _score():
        s0 = sc_ref[0:1, :]
        s1 = sc_ref[1:2, :]
        m = jnp.maximum(s0, s1)
        lse = m + jnp.log(jnp.exp(s0 - m) + jnp.exp(s1 - m))
        lbl = jnp.logical_or(forced, cm >= _THR)
        lp = jnp.where(lbl, s1, s0) - lse
        sco_out[0, 0] += jnp.sum(jnp.where(valid, lp, 0.0))


@functools.partial(
    pl.kernel,
    mesh=plsc.VectorSubcoreMesh(core_axis_name="c", subcore_axis_name="s"),
    out_type=jax.ShapeDtypeStruct((_NW * 16,), jnp.float32),
    compiler_params=pltpu.CompilerParams(needs_layout_passes=False),
    scratch_types=[
        pltpu.VMEM((_PPW, 1), jnp.int32),
        pltpu.VMEM((_PPW, 1), jnp.float32),
        pltpu.VMEM((_PPW, 4), jnp.float32),
        pltpu.VMEM((8 * _NOBJ * 4,), jnp.float32),
        pltpu.VMEM((16,), jnp.float32),
    ],
)
def _sc_corr(pp_hbm, ca0t_hbm, win_hbm, tab_hbm, out_hbm,
             ca0_v, win_v, rows_v, tab_v, acc_v):
    wid = lax.axis_index("s") * 2 + lax.axis_index("c")
    b = wid >> 2
    q = (wid & 3) * _PPW
    woff = pl.multiple_of(wid * _PPW, 8)
    pltpu.sync_copy(pp_hbm.at[pl.ds(woff, _PPW)], rows_v)
    pltpu.sync_copy(ca0t_hbm.at[pl.ds(woff, _PPW)], ca0_v)
    pltpu.sync_copy(win_hbm.at[pl.ds(woff, _PPW)], win_v)
    pltpu.sync_copy(tab_hbm, tab_v)
    lane = lax.iota(jnp.int32, 16)
    lz = lane * 0
    asg_t = (b * _NOBJ + q + lane) * 4
    ca0_i = plsc.load_gather(ca0_v, [lane, lz])
    win = plsc.load_gather(win_v, [lane, lz])
    corr = jnp.zeros((16,), jnp.float32)
    for cc in range(4):
        p = plsc.load_gather(rows_v, [lane, lz + cc])
        ta = plsc.load_gather(tab_v, [asg_t + cc])
        tc0 = plsc.load_gather(tab_v, [ca0_i * 4 + cc])
        corr = corr + win * (jnp.abs(p - ta) - jnp.abs(p - tc0))
    acc_v[...] = corr
    pltpu.sync_copy(acc_v, out_hbm.at[pl.ds(pl.multiple_of(wid * 16, 8), 16)])


def kernel(predicted_boxes, predicted_scores, boxes, prior_boxes):
    bsz = predicted_boxes.shape[0]
    pad = _NPAD - _NP
    prT = jnp.pad(prior_boxes, ((0, pad), (0, 0))).T
    ox1 = boxes[..., 0:1]
    oy1 = boxes[..., 1:2]
    ox2 = boxes[..., 2:3]
    oy2 = boxes[..., 3:4]
    bT = jnp.swapaxes(boxes, 1, 2)
    predT = jnp.swapaxes(
        jnp.pad(predicted_boxes, ((0, 0), (0, pad), (0, 0))), 1, 2)
    scT = jnp.pad(predicted_scores, ((0, pad), (0, 0))).T

    pp, ca0t, win, loc_sum, sco_sum = pl.pallas_call(
        _tc_body,
        grid=(bsz,),
        in_specs=[
            pl.BlockSpec((4, _NPAD), lambda b: (0, 0)),
            pl.BlockSpec((1, _NOBJ, 1), lambda b: (b, 0, 0)),
            pl.BlockSpec((1, _NOBJ, 1), lambda b: (b, 0, 0)),
            pl.BlockSpec((1, _NOBJ, 1), lambda b: (b, 0, 0)),
            pl.BlockSpec((1, _NOBJ, 1), lambda b: (b, 0, 0)),
            pl.BlockSpec((1, 4, _NOBJ), lambda b: (b, 0, 0)),
            pl.BlockSpec((1, 4, _NPAD), lambda b: (b, 0, 0)),
            pl.BlockSpec((2, _NPAD), lambda b: (0, 0)),
        ],
        out_specs=[
            pl.BlockSpec((_NOBJ, 4), lambda b: (b, 0)),
            pl.BlockSpec((_NOBJ, 1), lambda b: (b, 0)),
            pl.BlockSpec((_NOBJ, 1), lambda b: (b, 0)),
            pl.BlockSpec((1, 1), lambda b: (0, 0), memory_space=pltpu.SMEM),
            pl.BlockSpec((1, 1), lambda b: (0, 0), memory_space=pltpu.SMEM),
        ],
        out_shape=[
            jax.ShapeDtypeStruct((bsz * _NOBJ, 4), jnp.float32),
            jax.ShapeDtypeStruct((bsz * _NOBJ, 1), jnp.int32),
            jax.ShapeDtypeStruct((bsz * _NOBJ, 1), jnp.float32),
            jax.ShapeDtypeStruct((1, 1), jnp.float32),
            jax.ShapeDtypeStruct((1, 1), jnp.float32),
        ],
    )(prT, ox1, oy1, ox2, oy2, bT, predT, scT)

    tab = boxes.reshape(bsz * _NOBJ * 4)
    corr_parts = _sc_corr(pp, ca0t, win, tab)

    loc_loss = (loc_sum[0, 0] + jnp.sum(corr_parts)) / (bsz * _NP * 4)
    score_loss = -sco_sum[0, 0] / _NP
    return score_loss + loc_loss

# --- scband reference (transcript-rebuilt; emitter-appended) ---
"""Pipeline reference for scband-box-loss-89386859364638 (READ-ONLY COPY).

The authoritative reference and input builder live on the scoring server;
editing this copy changes nothing except your own understanding.
"""

import jax, jax.numpy as jnp
import numpy as np

B = 8
N_OBJ = 64
N_PRIORS = 20000
THRESHOLD = 0.6
ALPHA = 1.0


def _make_boxes(key, shape_prefix):
    k1, k2 = jax.random.split(key)
    cxy = jax.random.uniform(k1, shape_prefix + (2,)) * 0.8 + 0.1
    wh = jax.random.uniform(k2, shape_prefix + (2,)) * 0.2 + 0.05
    return jnp.concatenate([cxy - wh / 2.0, cxy + wh / 2.0], axis=-1)


def setup_inputs(seed: int = 0) -> dict:
    key = jax.random.key(seed)
    ks = jax.random.split(key, 4)
    predicted_boxes = jax.random.normal(ks[0], (B, N_PRIORS, 4), dtype=jnp.float32) * 0.1 + 0.5
    predicted_scores = jax.random.normal(ks[1], (N_PRIORS, 2), dtype=jnp.float32)
    boxes = _make_boxes(ks[2], (B, N_OBJ))
    prior_boxes = _make_boxes(ks[3], (N_PRIORS,))
    return {
        'predicted_boxes': predicted_boxes,
        'predicted_scores': predicted_scores,
        'boxes': boxes,
        'prior_boxes': prior_boxes,
    }


def find_intersection(a, b):
    # a: [N, 4], b: [M, 4] in (x1, y1, x2, y2)
    lt = jnp.maximum(a[:, None, :2], b[None, :, :2])
    rb = jnp.minimum(a[:, None, 2:], b[None, :, 2:])
    wh = jnp.clip(rb - lt, 0.0, None)
    inter = wh[..., 0] * wh[..., 1]
    area_a = (a[:, 2] - a[:, 0]) * (a[:, 3] - a[:, 1])
    area_b = (b[:, 2] - b[:, 0]) * (b[:, 3] - b[:, 1])
    union = area_a[:, None] + area_b[None, :] - inter
    iou = inter / jnp.maximum(union, 1e-10)
    return inter, iou


def reference(predicted_boxes, predicted_scores, boxes, prior_boxes):
    batch_size = predicted_boxes.shape[0]
    n_priors = prior_boxes.shape[0]
    n_objects = boxes.shape[1]
    true_locs = []
    overlap_for_each_prior = None
    for i in range(batch_size):
        _, iou = find_intersection(boxes[i], prior_boxes)  # [n_obj, n_priors]
        overlap_for_each_prior = jnp.max(iou, axis=0)
        object_for_each_prior = jnp.argmax(iou, axis=0)
        prior_for_each_object = jnp.argmax(iou, axis=1)
        object_for_each_prior = object_for_each_prior.at[prior_for_each_object].set(jnp.arange(n_objects))
        overlap_for_each_prior = overlap_for_each_prior.at[prior_for_each_object].set(1.0)
        overlap_for_each_prior = jnp.where(overlap_for_each_prior < THRESHOLD, -1.0, overlap_for_each_prior)
        true_locs.append(boxes[i][object_for_each_prior])
    true_locs = jnp.stack(true_locs, axis=0)
    loc_loss = jnp.mean(jnp.abs(predicted_boxes - true_locs))
    # cross entropy over positive/negative labels derived from the (last-batch) prior overlaps,
    # mirroring the original code which uses overlap_for_each_prior from the final loop iteration
    labels = (overlap_for_each_prior > 0.0).astype(jnp.int32)
    log_probs = jax.nn.log_softmax(predicted_scores, axis=-1)
    score_loss = -jnp.mean(jnp.take_along_axis(log_probs, labels[:, None], axis=1))
    return score_loss + ALPHA * loc_loss

if __name__ == "__main__":
    import jax
    _d = setup_inputs()
    print(jax.jit(kernel)(*tuple(_d.values())))

</pallas_src>

<mosaic_0001>
#map = affine_map<(d0, d1) -> (0, 0)>
#map1 = affine_map<(d0, d1) -> (0)>
module attributes {stable_mosaic.version = 14 : i64} {
  func.func @_sc_corr(%arg0: i32, %arg1: i32, %arg2: memref<512x4xf32, #tpu.memory_space<hbm>>, %arg3: memref<512x1xi32, #tpu.memory_space<hbm>>, %arg4: memref<512x1xf32, #tpu.memory_space<hbm>>, %arg5: memref<2048xf32, #tpu.memory_space<hbm>>, %arg6: memref<512xf32, #tpu.memory_space<hbm>>, %arg7: memref<16x1xi32, #tpu.memory_space<vmem>>, %arg8: memref<16x1xf32, #tpu.memory_space<vmem>>, %arg9: memref<16x4xf32, #tpu.memory_space<vmem>>, %arg10: memref<2048xf32, #tpu.memory_space<vmem>>, %arg11: memref<16xf32, #tpu.memory_space<vmem>>) attributes {dimension_semantics = [#tpu.dimension_semantics<core_parallel>, #tpu.dimension_semantics<subcore_parallel>], iteration_bounds = array<i64: 2, 16>, scalar_prefetch = 0 : i64, scratch_operands = 5 : i64, tpu.core_type = #tpu.core_type<sc_vector_subcore>, window_params = [{transform_indices = #map}, {transform_indices = #map}, {transform_indices = #map}, {transform_indices = #map1}, {transform_indices = #map1}]} {
    %mul3A = arith.constant 2 : i32
    %mul3A_0 = arith.muli %arg1, %mul3A : i32
    %add3A = arith.addi %mul3A_0, %arg0 : i32
    %shift_right_arithmetic3A = arith.constant 2 : i32
    %shift_right_arithmetic3A_1 = arith.shrsi %add3A, %shift_right_arithmetic3A : i32
    %and3A = arith.constant 3 : i32
    %and3A_2 = arith.andi %add3A, %and3A : i32
    %mul3A_3 = arith.constant 16 : i32
    %mul3A_4 = arith.muli %and3A_2, %mul3A_3 : i32
    %mul3A_5 = arith.constant 16 : i32
    %mul3A_6 = arith.muli %add3A, %mul3A_5 : i32
    %multiple_of3A = tpu.assume_multiple %mul3A_6, 8 : i32
    "tpu.region"() ({
      %run_scoped3A = tpu.sem_alloc : memref<!tpu.dma_semaphore, #tpu.memory_space<semaphore_mem>>
      %dma_start3A = arith.constant 0 : i32
      %dma_start3A_110 = tpu.memref_slice %arg2[%multiple_of3A, %dma_start3A] : memref<512x4xf32, #tpu.memory_space<hbm>> -> memref<16x4xf32, #tpu.memory_space<hbm>>
      %dma_start3A_111 = arith.constant 0 : i32
      %dma_start3A_112 = tpu.memref_slice %arg2[%multiple_of3A, %dma_start3A_111] : memref<512x4xf32, #tpu.memory_space<hbm>> -> memref<16x4xf32, #tpu.memory_space<hbm>>
      tpu.enqueue_dma source(%dma_start3A_112 : memref<16x4xf32, #tpu.memory_space<hbm>>) target(%arg9 : memref<16x4xf32, #tpu.memory_space<vmem>>) target_semaphore(%run_scoped3A : memref<!tpu.dma_semaphore, #tpu.memory_space<semaphore_mem>>)
      %dma_wait3A = arith.constant 0 : i32
      %dma_wait3A_113 = tpu.memref_slice %arg2[%multiple_of3A, %dma_wait3A] : memref<512x4xf32, #tpu.memory_space<hbm>> -> memref<16x4xf32, #tpu.memory_space<hbm>>
      %dma_wait3A_114 = arith.constant 0 : i32
      %dma_wait3A_115 = tpu.memref_slice %arg2[%multiple_of3A, %dma_wait3A_114] : memref<512x4xf32, #tpu.memory_space<hbm>> -> memref<16x4xf32, #tpu.memory_space<hbm>>
      tpu.wait_dma2 semaphore(%run_scoped3A : memref<!tpu.dma_semaphore, #tpu.memory_space<semaphore_mem>>) src(%dma_wait3A_115 : memref<16x4xf32, #tpu.memory_space<hbm>>) dst(%arg9 : memref<16x4xf32, #tpu.memory_space<vmem>>)
      tpu.yield
    }) : () -> ()
    "tpu.region"() ({
      %run_scoped3A = tpu.sem_alloc : memref<!tpu.dma_semaphore, #tpu.memory_space<semaphore_mem>>
      %dma_start3A = arith.constant 0 : i32
      %dma_start3A_110 = tpu.memref_slice %arg3[%multiple_of3A, %dma_start3A] : memref<512x1xi32, #tpu.memory_space<hbm>> -> memref<16x1xi32, #tpu.memory_space<hbm>>
      %dma_start3A_111 = arith.constant 0 : i32
      %dma_start3A_112 = tpu.memref_slice %arg3[%multiple_of3A, %dma_start3A_111] : memref<512x1xi32, #tpu.memory_space<hbm>> -> memref<16x1xi32, #tpu.memory_space<hbm>>
      tpu.enqueue_dma source(%dma_start3A_112 : memref<16x1xi32, #tpu.memory_space<hbm>>) target(%arg7 : memref<16x1xi32, #tpu.memory_space<vmem>>) target_semaphore(%run_scoped3A : memref<!tpu.dma_semaphore, #tpu.memory_space<semaphore_mem>>)
      %dma_wait3A = arith.constant 0 : i32
      %dma_wait3A_113 = tpu.memref_slice %arg3[%multiple_of3A, %dma_wait3A] : memref<512x1xi32, #tpu.memory_space<hbm>> -> memref<16x1xi32, #tpu.memory_space<hbm>>
      %dma_wait3A_114 = arith.constant 0 : i32
      %dma_wait3A_115 = tpu.memref_slice %arg3[%multiple_of3A, %dma_wait3A_114] : memref<512x1xi32, #tpu.memory_space<hbm>> -> memref<16x1xi32, #tpu.memory_space<hbm>>
      tpu.wait_dma2 semaphore(%run_scoped3A : memref<!tpu.dma_semaphore, #tpu.memory_space<semaphore_mem>>) src(%dma_wait3A_115 : memref<16x1xi32, #tpu.memory_space<hbm>>) dst(%arg7 : memref<16x1xi32, #tpu.memory_space<vmem>>)
      tpu.yield
    }) : () -> ()
    "tpu.region"() ({
      %run_scoped3A = tpu.sem_alloc : memref<!tpu.dma_semaphore, #tpu.memory_space<semaphore_mem>>
      %dma_start3A = arith.constant 0 : i32
      %dma_start3A_110 = tpu.memref_slice %arg4[%multiple_of3A, %dma_start3A] : memref<512x1xf32, #tpu.memory_space<hbm>> -> memref<16x1xf32, #tpu.memory_space<hbm>>
      %dma_start3A_111 = arith.constant 0 : i32
      %dma_start3A_112 = tpu.memref_slice %arg4[%multiple_of3A, %dma_start3A_111] : memref<512x1xf32, #tpu.memory_space<hbm>> -> memref<16x1xf32, #tpu.memory_space<hbm>>
      tpu.enqueue_dma source(%dma_start3A_112 : memref<16x1xf32, #tpu.memory_space<hbm>>) target(%arg8 : memref<16x1xf32, #tpu.memory_space<vmem>>) target_semaphore(%run_scoped3A : memref<!tpu.dma_semaphore, #tpu.memory_space<semaphore_mem>>)
      %dma_wait3A = arith.constant 0 : i32
      %dma_wait3A_113 = tpu.memref_slice %arg4[%multiple_of3A, %dma_wait3A] : memref<512x1xf32, #tpu.memory_space<hbm>> -> memref<16x1xf32, #tpu.memory_space<hbm>>
      %dma_wait3A_114 = arith.constant 0 : i32
      %dma_wait3A_115 = tpu.memref_slice %arg4[%multiple_of3A, %dma_wait3A_114] : memref<512x1xf32, #tpu.memory_space<hbm>> -> memref<16x1xf32, #tpu.memory_space<hbm>>
      tpu.wait_dma2 semaphore(%run_scoped3A : memref<!tpu.dma_semaphore, #tpu.memory_space<semaphore_mem>>) src(%dma_wait3A_115 : memref<16x1xf32, #tpu.memory_space<hbm>>) dst(%arg8 : memref<16x1xf32, #tpu.memory_space<vmem>>)
      tpu.yield
    }) : () -> ()
    "tpu.region"() ({
      %run_scoped3A = tpu.sem_alloc : memref<!tpu.dma_semaphore, #tpu.memory_space<semaphore_mem>>
      tpu.enqueue_dma source(%arg5 : memref<2048xf32, #tpu.memory_space<hbm>>) target(%arg10 : memref<2048xf32, #tpu.memory_space<vmem>>) target_semaphore(%run_scoped3A : memref<!tpu.dma_semaphore, #tpu.memory_space<semaphore_mem>>)
      tpu.wait_dma2 semaphore(%run_scoped3A : memref<!tpu.dma_semaphore, #tpu.memory_space<semaphore_mem>>) src(%arg5 : memref<2048xf32, #tpu.memory_space<hbm>>) dst(%arg10 : memref<2048xf32, #tpu.memory_space<vmem>>)
      tpu.yield
    }) : () -> ()
    %iota3A = tpu.iota {dimensions = array<i32: 0>} : vector<16xi32>
    %mul3A_7 = arith.constant 0 : i32
    %mul3A_8 = vector.broadcast %mul3A_7 : i32 to vector<16xi32>
    %mul3A_9 = arith.muli %iota3A, %mul3A_8 : vector<16xi32>
    %mul3A_10 = arith.constant 64 : i32
    %mul3A_11 = arith.muli %shift_right_arithmetic3A_1, %mul3A_10 : i32
    %add3A_12 = arith.addi %mul3A_11, %mul3A_4 : i32
    %add3A_13 = vector.broadcast %add3A_12 : i32 to vector<16xi32>
    %add3A_14 = arith.addi %add3A_13, %iota3A : vector<16xi32>
    %mul3A_15 = arith.constant 4 : i32
    %mul3A_16 = vector.broadcast %mul3A_15 : i32 to vector<16xi32>
    %mul3A_17 = arith.muli %add3A_14, %mul3A_16 : vector<16xi32>
    %gather3A = tpu.vector_load_idx %arg7[%iota3A, %mul3A_9] : memref<16x1xi32, #tpu.memory_space<vmem>>[vector<16xi32>, vector<16xi32>], vector<16xi32>,
    %gather3A_18 = tpu.vector_load_idx %arg8[%iota3A, %mul3A_9] : memref<16x1xf32, #tpu.memory_space<vmem>>[vector<16xi32>, vector<16xi32>], vector<16xf32>,
    %broadcast_in_dim3A = arith.constant 0.000000e+00 : f32
    %broadcast_in_dim3A_19 = vector.broadcast %broadcast_in_dim3A : f32 to vector<16xf32>
    %add3A_20 = arith.constant 0 : i32
    %add3A_21 = vector.broadcast %add3A_20 : i32 to vector<16xi32>
    %add3A_22 = arith.addi %mul3A_9, %add3A_21 : vector<16xi32>
    %gather3A_23 = tpu.vector_load_idx %arg9[%iota3A, %add3A_22] : memref<16x4xf32, #tpu.memory_space<vmem>>[vector<16xi32>, vector<16xi32>], vector<16xf32>,
    %add3A_24 = arith.constant 0 : i32
    %add3A_25 = vector.broadcast %add3A_24 : i32 to vector<16xi32>
    %add3A_26 = arith.addi %mul3A_17, %add3A_25 : vector<16xi32>
    %gather3A_27 = tpu.vector_load_idx %arg10[%add3A_26] : memref<2048xf32, #tpu.memory_space<vmem>>[vector<16xi32>], vector<16xf32>,
    %mul3A_28 = arith.constant 4 : i32
    %mul3A_29 = vector.broadcast %mul3A_28 : i32 to vector<16xi32>
    %mul3A_30 = arith.muli %gather3A, %mul3A_29 : vector<16xi32>
    %add3A_31 = arith.constant 0 : i32
    %add3A_32 = vector.broadcast %add3A_31 : i32 to vector<16xi32>
    %add3A_33 = arith.addi %mul3A_30, %add3A_32 : vector<16xi32>
    %gather3A_34 = tpu.vector_load_idx %arg10[%add3A_33] : memref<2048xf32, #tpu.memory_space<vmem>>[vector<16xi32>], vector<16xf32>,
    %sub3A = arith.subf %gather3A_23, %gather3A_27 : vector<16xf32>
    %abs3A = math.absf %sub3A : vector<16xf32>
    %sub3A_35 = arith.subf %gather3A_23, %gather3A_34 : vector<16xf32>
    %abs3A_36 = math.absf %sub3A_35 : vector<16xf32>
    %sub3A_37 = arith.subf %abs3A, %abs3A_36 : vector<16xf32>
    %mul3A_38 = arith.mulf %gather3A_18, %sub3A_37 : vector<16xf32>
    %add3A_39 = arith.addf %broadcast_in_dim3A_19, %mul3A_38 : vector<16xf32>
    %add3A_40 = arith.constant 1 : i32
    %add3A_41 = vector.broadcast %add3A_40 : i32 to vector<16xi32>
    %add3A_42 = arith.addi %mul3A_9, %add3A_41 : vector<16xi32>
    %gather3A_43 = tpu.vector_load_idx %arg9[%iota3A, %add3A_42] : memref<16x4xf32, #tpu.memory_space<vmem>>[vector<16xi32>, vector<16xi32>], vector<16xf32>,
    %add3A_44 = arith.constant 1 : i32
    %add3A_45 = vector.broadcast %add3A_44 : i32 to vector<16xi32>
    %add3A_46 = arith.addi %mul3A_17, %add3A_45 : vector<16xi32>
    %gather3A_47 = tpu.vector_load_idx %arg10[%add3A_46] : memref<2048xf32, #tpu.memory_space<vmem>>[vector<16xi32>], vector<16xf32>,
    %mul3A_48 = arith.constant 4 : i32
    %mul3A_49 = vector.broadcast %mul3A_48 : i32 to vector<16xi32>
    %mul3A_50 = arith.muli %gather3A, %mul3A_49 : vector<16xi32>
    %add3A_51 = arith.constant 1 : i32
    %add3A_52 = vector.broadcast %add3A_51 : i32 to vector<16xi32>
    %add3A_53 = arith.addi %mul3A_50, %add3A_52 : vector<16xi32>
    %gather3A_54 = tpu.vector_load_idx %arg10[%add3A_53] : memref<2048xf32, #tpu.memory_space<vmem>>[vector<16xi32>], vector<16xf32>,
    %sub3A_55 = arith.subf %gather3A_43, %gather3A_47 : vector<16xf32>
    %abs3A_56 = math.absf %sub3A_55 : vector<16xf32>
    %sub3A_57 = arith.subf %gather3A_43, %gather3A_54 : vector<16xf32>
    %abs3A_58 = math.absf %sub3A_57 : vector<16xf32>
    %sub3A_59 = arith.subf %abs3A_56, %abs3A_58 : vector<16xf32>
    %mul3A_60 = arith.mulf %gather3A_18, %sub3A_59 : vector<16xf32>
    %add3A_61 = arith.addf %add3A_39, %mul3A_60 : vector<16xf32>
    %add3A_62 = arith.constant 2 : i32
    %add3A_63 = vector.broadcast %add3A_62 : i32 to vector<16xi32>
    %add3A_64 = arith.addi %mul3A_9, %add3A_63 : vector<16xi32>
    %gather3A_65 = tpu.vector_load_idx %arg9[%iota3A, %add3A_64] : memref<16x4xf32, #tpu.memory_space<vmem>>[vector<16xi32>, vector<16xi32>], vector<16xf32>,
    %add3A_66 = arith.constant 2 : i32
    %add3A_67 = vector.broadcast %add3A_66 : i32 to vector<16xi32>
    %add3A_68 = arith.addi %mul3A_17, %add3A_67 : vector<16xi32>
    %gather3A_69 = tpu.vector_load_idx %arg10[%add3A_68] : memref<2048xf32, #tpu.memory_space<vmem>>[vector<16xi32>], vector<16xf32>,
    %mul3A_70 = arith.constant 4 : i32
    %mul3A_71 = vector.broadcast %mul3A_70 : i32 to vector<16xi32>
    %mul3A_72 = arith.muli %gather3A, %mul3A_71 : vector<16xi32>
    %add3A_73 = arith.constant 2 : i32
    %add3A_74 = vector.broadcast %add3A_73 : i32 to vector<16xi32>
    %add3A_75 = arith.addi %mul3A_72, %add3A_74 : vector<16xi32>
    %gather3A_76 = tpu.vector_load_idx %arg10[%add3A_75] : memref<2048xf32, #tpu.memory_space<vmem>>[vector<16xi32>], vector<16xf32>,
    %sub3A_77 = arith.subf %gather3A_65, %gather3A_69 : vector<16xf32>
    %abs3A_78 = math.absf %sub3A_77 : vector<16xf32>
    %sub3A_79 = arith.subf %gather3A_65, %gather3A_76 : vector<16xf32>
    %abs3A_80 = math.absf %sub3A_79 : vector<16xf32>
    %sub3A_81 = arith.subf %abs3A_78, %abs3A_80 : vector<16xf32>
    %mul3A_82 = arith.mulf %gather3A_18, %sub3A_81 : vector<16xf32>
    %add3A_83 = arith.addf %add3A_61, %mul3A_82 : vector<16xf32>
    %add3A_84 = arith.constant 3 : i32
    %add3A_85 = vector.broadcast %add3A_84 : i32 to vector<16xi32>
    %add3A_86 = arith.addi %mul3A_9, %add3A_85 : vector<16xi32>
    %gather3A_87 = tpu.vector_load_idx %arg9[%iota3A, %add3A_86] : memref<16x4xf32, #tpu.memory_space<vmem>>[vector<16xi32>, vector<16xi32>], vector<16xf32>,
    %add3A_88 = arith.constant 3 : i32
    %add3A_89 = vector.broadcast %add3A_88 : i32 to vector<16xi32>
    %add3A_90 = arith.addi %mul3A_17, %add3A_89 : vector<16xi32>
    %gather3A_91 = tpu.vector_load_idx %arg10[%add3A_90] : memref<2048xf32, #tpu.memory_space<vmem>>[vector<16xi32>], vector<16xf32>,
    %mul3A_92 = arith.constant 4 : i32
    %mul3A_93 = vector.broadcast %mul3A_92 : i32 to vector<16xi32>
    %mul3A_94 = arith.muli %gather3A, %mul3A_93 : vector<16xi32>
    %add3A_95 = arith.constant 3 : i32
    %add3A_96 = vector.broadcast %add3A_95 : i32 to vector<16xi32>
    %add3A_97 = arith.addi %mul3A_94, %add3A_96 : vector<16xi32>
    %gather3A_98 = tpu.vector_load_idx %arg10[%add3A_97] : memref<2048xf32, #tpu.memory_space<vmem>>[vector<16xi32>], vector<16xf32>,
    %sub3A_99 = arith.subf %gather3A_87, %gather3A_91 : vector<16xf32>
    %abs3A_100 = math.absf %sub3A_99 : vector<16xf32>
    %sub3A_101 = arith.subf %gather3A_87, %gather3A_98 : vector<16xf32>
    %abs3A_102 = math.absf %sub3A_101 : vector<16xf32>
    %sub3A_103 = arith.subf %abs3A_100, %abs3A_102 : vector<16xf32>
    %mul3A_104 = arith.mulf %gather3A_18, %sub3A_103 : vector<16xf32>
    %add3A_105 = arith.addf %add3A_83, %mul3A_104 : vector<16xf32>
    %swap3A = arith.constant 0 : index
    %swap3A_106 = tpu.vector_load %arg11[%swap3A] {strides = array<i32>} : memref<16xf32, #tpu.memory_space<vmem>>, vector<16xf32>,
    tpu.vector_store %arg11[%swap3A], %add3A_105 {strides = array<i32>} : memref<16xf32, #tpu.memory_space<vmem>>, vector<16xf32>,
    %mul3A_107 = arith.constant 16 : i32
    %mul3A_108 = arith.muli %add3A, %mul3A_107 : i32
    %multiple_of3A_109 = tpu.assume_multiple %mul3A_108, 8 : i32
    "tpu.region"() ({
      %run_scoped3A = tpu.sem_alloc : memref<!tpu.dma_semaphore, #tpu.memory_space<semaphore_mem>>
      %dma_start3A = tpu.memref_slice %arg6[%multiple_of3A_109] : memref<512xf32, #tpu.memory_space<hbm>> -> memref<16xf32, #tpu.memory_space<hbm>>
      %dma_start3A_110 = tpu.memref_slice %arg6[%multiple_of3A_109] : memref<512xf32, #tpu.memory_space<hbm>> -> memref<16xf32, #tpu.memory_space<hbm>>
      tpu.enqueue_dma source(%arg11 : memref<16xf32, #tpu.memory_space<vmem>>) target(%dma_start3A_110 : memref<16xf32, #tpu.memory_space<hbm>>) target_semaphore(%run_scoped3A : memref<!tpu.dma_semaphore, #tpu.memory_space<semaphore_mem>>)
      %dma_wait3A = tpu.memref_slice %arg6[%multiple_of3A_109] : memref<512xf32, #tpu.memory_space<hbm>> -> memref<16xf32, #tpu.memory_space<hbm>>
      %dma_wait3A_111 = tpu.memref_slice %arg6[%multiple_of3A_109] : memref<512xf32, #tpu.memory_space<hbm>> -> memref<16xf32, #tpu.memory_space<hbm>>
      tpu.wait_dma2 semaphore(%run_scoped3A : memref<!tpu.dma_semaphore, #tpu.memory_space<semaphore_mem>>) src(%arg11 : memref<16xf32, #tpu.memory_space<vmem>>) dst(%dma_wait3A_111 : memref<16xf32, #tpu.memory_space<hbm>>)
      tpu.yield
    }) : () -> ()
    return
  }
}

module attributes {stable_mosaic.version = 14 : i64} {
  func.func @_tc_body(%arg0: i32, %arg1: memref<4x20480xf32, #tpu.memory_space<vmem>>, %arg2: memref<1x64x1xf32, #tpu.memory_space<vmem>>, %arg3: memref<1x64x1xf32, #tpu.memory_space<vmem>>, %arg4: memref<1x64x1xf32, #tpu.memory_space<vmem>>, %arg5: memref<1x64x1xf32, #tpu.memory_space<vmem>>, %arg6: memref<1x4x64xf32, #tpu.memory_space<vmem>>, %arg7: memref<1x4x20480xf32, #tpu.memory_space<vmem>>, %arg8: memref<2x20480xf32, #tpu.memory_space<vmem>>, %arg9: memref<64x4xf32, #tpu.memory_space<vmem>>, %arg10: memref<64x1xi32, #tpu.memory_space<vmem>>, %arg11: memref<64x1xf32, #tpu.memory_space<vmem>>, %arg12: memref<1x1xf32, #tpu.memory_space<smem>>, %arg13: memref<1x1xf32, #tpu.memory_space<smem>>) attributes {dimension_semantics = [#tpu.dimension_semantics<arbitrary>], iteration_bounds = array<i64: 8>, scalar_prefetch = 0 : i64, scratch_operands = 0 : i64, tpu.core_type = #tpu.core_type<tc>, window_params = [{pipeline_mode = #tpu.pipeline_mode<synchronous>, transform_indices = @transform_0, window_bounds = array<i64: 4, 20480>}, {transform_indices = @transform_1, window_bounds = array<i64: 1, 64, 1>}, {transform_indices = @transform_2, window_bounds = array<i64: 1, 64, 1>}, {transform_indices = @transform_3, window_bounds = array<i64: 1, 64, 1>}, {transform_indices = @transform_4, window_bounds = array<i64: 1, 64, 1>}, {transform_indices = @transform_5, window_bounds = array<i64: 1, 4, 64>}, {transform_indices = @transform_6, window_bounds = array<i64: 1, 4, 20480>}, {pipeline_mode = #tpu.pipeline_mode<synchronous>, transform_indices = @transform_7, window_bounds = array<i64: 2, 20480>}, {transform_indices = @transform_8, window_bounds = array<i64: 64, 4>}, {transform_indices = @transform_9, window_bounds = array<i64: 64, 1>}, {transform_indices = @transform_10, window_bounds = array<i64: 64, 1>}, {transform_indices = @transform_11, window_bounds = array<i64: 1, 1>}, {transform_indices = @transform_12, window_bounds = array<i64: 1, 1>}]} {
    %eq3A = arith.constant 0 : i32
    %eq3A_0 = arith.cmpi eq, %arg0, %eq3A : i32
    %convert_element_type3A = arith.extui %eq3A_0 : i1 to i32
    %cond3A = arith.constant 0 : i32
    %cond3A_1 = arith.cmpi ne, %convert_element_type3A, %cond3A : i32
    scf.if %cond3A_1 {
      %swap3A_211 = arith.constant 0.000000e+00 : f32
      %swap3A_212 = arith.constant 0 : index
      %swap3A_213 = arith.constant 0 : index
      %swap3A_214 = memref.load %arg12[%swap3A_212, %swap3A_213] : memref<1x1xf32, #tpu.memory_space<smem>>
      memref.store %swap3A_211, %arg12[%swap3A_212, %swap3A_213] : memref<1x1xf32, #tpu.memory_space<smem>>
      %swap3A_215 = arith.constant 0.000000e+00 : f32
      %swap3A_216 = arith.constant 0 : index
      %swap3A_217 = arith.constant 0 : index
      %swap3A_218 = memref.load %arg13[%swap3A_216, %swap3A_217] : memref<1x1xf32, #tpu.memory_space<smem>>
      memref.store %swap3A_215, %arg13[%swap3A_216, %swap3A_217] : memref<1x1xf32, #tpu.memory_space<smem>>
    } else {
    }
    %iota3A = tpu.iota {dimensions = array<i32: 1>} : vector<1x20480xi32>
    %iota3A_2 = tpu.iota {dimensions = array<i32: 0>} : vector<64x20480xi32>
    %get3A = arith.constant 0 : index
    %get3A_3 = arith.constant 0 : index
    %get3A_4 = vector.load %arg1[%get3A, %get3A_3] : memref<4x20480xf32, #tpu.memory_space<vmem>>, vector<1x20480xf32>
    %get3A_5 = arith.constant 1 : index
    %get3A_6 = arith.constant 0 : index
    %get3A_7 = vector.load %arg1[%get3A_5, %get3A_6] : memref<4x20480xf32, #tpu.memory_space<vmem>>, vector<1x20480xf32>
    %get3A_8 = arith.constant 2 : index
    %get3A_9 = arith.constant 0 : index
    %get3A_10 = vector.load %arg1[%get3A_8, %get3A_9] : memref<4x20480xf32, #tpu.memory_space<vmem>>, vector<1x20480xf32>
    %get3A_11 = arith.constant 3 : index
    %get3A_12 = arith.constant 0 : index
    %get3A_13 = vector.load %arg1[%get3A_11, %get3A_12] : memref<4x20480xf32, #tpu.memory_space<vmem>>, vector<1x20480xf32>
    %get3A_14 = arith.constant 0 : index
    %get3A_15 = arith.constant 0 : index
    %get3A_16 = arith.constant 0 : index
    %get3A_17 = vector.load %arg2[%get3A_14, %get3A_15, %get3A_16] : memref<1x64x1xf32, #tpu.memory_space<vmem>>, vector<1x64x1xf32>
    %get3A_18 = vector.shape_cast %get3A_17 : vector<1x64x1xf32> to vector<64x1xf32>
    %get3A_19 = arith.constant 0 : index
    %get3A_20 = arith.constant 0 : index
    %get3A_21 = arith.constant 0 : index
    %get3A_22 = vector.load %arg3[%get3A_19, %get3A_20, %get3A_21] : memref<1x64x1xf32, #tpu.memory_space<vmem>>, vector<1x64x1xf32>
    %get3A_23 = vector.shape_cast %get3A_22 : vector<1x64x1xf32> to vector<64x1xf32>
    %get3A_24 = arith.constant 0 : index
    %get3A_25 = arith.constant 0 : index
    %get3A_26 = arith.constant 0 : index
    %get3A_27 = vector.load %arg4[%get3A_24, %get3A_25, %get3A_26] : memref<1x64x1xf32, #tpu.memory_space<vmem>>, vector<1x64x1xf32>
    %get3A_28 = vector.shape_cast %get3A_27 : vector<1x64x1xf32> to vector<64x1xf32>
    %get3A_29 = arith.constant 0 : index
    %get3A_30 = arith.constant 0 : index
    %get3A_31 = arith.constant 0 : index
    %get3A_32 = vector.load %arg5[%get3A_29, %get3A_30, %get3A_31] : memref<1x64x1xf32, #tpu.memory_space<vmem>>, vector<1x64x1xf32>
    %get3A_33 = vector.shape_cast %get3A_32 : vector<1x64x1xf32> to vector<64x1xf32>
    %min3A = vector.broadcast %get3A_28 : vector<64x1xf32> to vector<64x20480xf32>
    %min3A_34 = vector.broadcast %get3A_10 : vector<1x20480xf32> to vector<64x20480xf32>
    %min3A_35 = arith.minimumf %min3A, %min3A_34 : vector<64x20480xf32>
    %max3A = vector.broadcast %get3A_18 : vector<64x1xf32> to vector<64x20480xf32>
    %max3A_36 = vector.broadcast %get3A_4 : vector<1x20480xf32> to vector<64x20480xf32>
    %max3A_37 = arith.maximumf %max3A, %max3A_36 : vector<64x20480xf32>
    %sub3A = arith.subf %min3A_35, %max3A_37 : vector<64x20480xf32>
    %max3A_38 = arith.constant 0.000000e+00 : f32
    %max3A_39 = vector.broadcast %max3A_38 : f32 to vector<64x20480xf32>
    %max3A_40 = arith.maximumf %sub3A, %max3A_39 : vector<64x20480xf32>
    %min3A_41 = vector.broadcast %get3A_33 : vector<64x1xf32> to vector<64x20480xf32>
    %min3A_42 = vector.broadcast %get3A_13 : vector<1x20480xf32> to vector<64x20480xf32>
    %min3A_43 = arith.minimumf %min3A_41, %min3A_42 : vector<64x20480xf32>
    %max3A_44 = vector.broadcast %get3A_23 : vector<64x1xf32> to vector<64x20480xf32>
    %max3A_45 = vector.broadcast %get3A_7 : vector<1x20480xf32> to vector<64x20480xf32>
    %max3A_46 = arith.maximumf %max3A_44, %max3A_45 : vector<64x20480xf32>
    %sub3A_47 = arith.subf %min3A_43, %max3A_46 : vector<64x20480xf32>
    %max3A_48 = arith.constant 0.000000e+00 : f32
    %max3A_49 = vector.broadcast %max3A_48 : f32 to vector<64x20480xf32>
    %max3A_50 = arith.maximumf %sub3A_47, %max3A_49 : vector<64x20480xf32>
    %mul3A = arith.mulf %max3A_40, %max3A_50 : vector<64x20480xf32>
    %sub3A_51 = arith.subf %get3A_28, %get3A_18 : vector<64x1xf32>
    %sub3A_52 = arith.subf %get3A_33, %get3A_23 : vector<64x1xf32>
    %mul3A_53 = arith.mulf %sub3A_51, %sub3A_52 : vector<64x1xf32>
    %sub3A_54 = arith.subf %get3A_10, %get3A_4 : vector<1x20480xf32>
    %sub3A_55 = arith.subf %get3A_13, %get3A_7 : vector<1x20480xf32>
    %mul3A_56 = arith.mulf %sub3A_54, %sub3A_55 : vector<1x20480xf32>
    %add3A = vector.broadcast %mul3A_53 : vector<64x1xf32> to vector<64x20480xf32>
    %add3A_57 = vector.broadcast %mul3A_56 : vector<1x20480xf32> to vector<64x20480xf32>
    %add3A_58 = arith.addf %add3A, %add3A_57 : vector<64x20480xf32>
    %sub3A_59 = arith.subf %add3A_58, %mul3A : vector<64x20480xf32>
    %max3A_60 = arith.constant 1.000000e-10 : f32
    %max3A_61 = vector.broadcast %max3A_60 : f32 to vector<64x20480xf32>
    %max3A_62 = arith.maximumf %sub3A_59, %max3A_61 : vector<64x20480xf32>
    %div3A = arith.divf %mul3A, %max3A_62 : vector<64x20480xf32>
    %reduce_max3A = arith.constant dense<0xFF800000> : vector<20480xf32>
    %reduce_max3A_63 = vector.multi_reduction <maximumf>, %div3A, %reduce_max3A [0] : vector<64x20480xf32> to vector<20480xf32>
    %broadcast_in_dim3A = vector.shape_cast %reduce_max3A_63 : vector<20480xf32> to vector<1x20480xf32>
    %eq3A_64 = vector.broadcast %broadcast_in_dim3A : vector<1x20480xf32> to vector<64x20480xf32>
    %eq3A_65 = arith.cmpf oeq, %div3A, %eq3A_64 : vector<64x20480xf32>
    %jit3A = arith.constant 64 : i32
    %broadcast_in_dim3A_66 = vector.broadcast %jit3A : i32 to vector<64x20480xi32>
    %select_n3A = arith.select %eq3A_65, %iota3A_2, %broadcast_in_dim3A_66 : vector<64x20480xi1>, vector<64x20480xi32>
    %reduce_min3A = arith.constant dense<2147483647> : vector<20480xi32>
    %reduce_min3A_67 = vector.multi_reduction <minsi>, %select_n3A, %reduce_min3A [0] : vector<64x20480xi32> to vector<20480xi32>
    %broadcast_in_dim3A_68 = vector.shape_cast %reduce_min3A_67 : vector<20480xi32> to vector<1x20480xi32>
    %reduce_max3A_69 = arith.constant dense<0xFF800000> : vector<64xf32>
    %reduce_max3A_70 = vector.multi_reduction <maximumf>, %div3A, %reduce_max3A_69 [1] : vector<64x20480xf32> to vector<64xf32>
    %broadcast_in_dim3A_71 = vector.shape_cast %reduce_max3A_70 : vector<64xf32> to vector<64x1xf32>
    %eq3A_72 = vector.broadcast %broadcast_in_dim3A_71 : vector<64x1xf32> to vector<64x20480xf32>
    %eq3A_73 = arith.cmpf oeq, %div3A, %eq3A_72 : vector<64x20480xf32>
    %jit3A_74 = arith.constant 20480 : i32
    %broadcast_in_dim3A_75 = vector.shape_cast %iota3A : vector<1x20480xi32> to vector<1x20480xi32>
    %broadcast_in_dim3A_76 = vector.broadcast %broadcast_in_dim3A_75 : vector<1x20480xi32> to vector<64x20480xi32>
    %broadcast_in_dim3A_77 = vector.broadcast %jit3A_74 : i32 to vector<64x20480xi32>
    %select_n3A_78 = arith.select %eq3A_73, %broadcast_in_dim3A_76, %broadcast_in_dim3A_77 : vector<64x20480xi1>, vector<64x20480xi32>
    %reduce_min3A_79 = arith.constant dense<2147483647> : vector<64xi32>
    %reduce_min3A_80 = vector.multi_reduction <minsi>, %select_n3A_78, %reduce_min3A_79 [1] : vector<64x20480xi32> to vector<64xi32>
    %broadcast_in_dim3A_81 = vector.shape_cast %reduce_min3A_80 : vector<64xi32> to vector<64x1xi32>
    %eq3A_82 = vector.broadcast %broadcast_in_dim3A_81 : vector<64x1xi32> to vector<64x20480xi32>
    %eq3A_83 = vector.broadcast %iota3A : vector<1x20480xi32> to vector<64x20480xi32>
    %eq3A_84 = arith.cmpi eq, %eq3A_82, %eq3A_83 : vector<64x20480xi32>
    %jit3A_85 = arith.constant 1 : i32
    %jit3A_86 = arith.constant 0 : i32
    %broadcast_in_dim3A_87 = vector.broadcast %jit3A_85 : i32 to vector<64x20480xi32>
    %broadcast_in_dim3A_88 = vector.broadcast %jit3A_86 : i32 to vector<64x20480xi32>
    %select_n3A_89 = arith.select %eq3A_84, %broadcast_in_dim3A_87, %broadcast_in_dim3A_88 : vector<64x20480xi1>, vector<64x20480xi32>
    %reduce_max3A_90 = arith.constant dense<-2147483648> : vector<20480xi32>
    %reduce_max3A_91 = vector.multi_reduction <maxsi>, %select_n3A_89, %reduce_max3A_90 [0] : vector<64x20480xi32> to vector<20480xi32>
    %broadcast_in_dim3A_92 = vector.shape_cast %reduce_max3A_91 : vector<20480xi32> to vector<1x20480xi32>
    %gt3A = arith.constant 0 : i32
    %gt3A_93 = vector.broadcast %gt3A : i32 to vector<1x20480xi32>
    %gt3A_94 = arith.cmpi sgt, %broadcast_in_dim3A_92, %gt3A_93 : vector<1x20480xi32>
    %jit3A_95 = arith.constant -1 : i32
    %broadcast_in_dim3A_96 = vector.broadcast %jit3A_95 : i32 to vector<64x20480xi32>
    %select_n3A_97 = arith.select %eq3A_84, %iota3A_2, %broadcast_in_dim3A_96 : vector<64x20480xi1>, vector<64x20480xi32>
    %reduce_max3A_98 = arith.constant dense<-2147483648> : vector<20480xi32>
    %reduce_max3A_99 = vector.multi_reduction <maxsi>, %select_n3A_97, %reduce_max3A_98 [0] : vector<64x20480xi32> to vector<20480xi32>
    %broadcast_in_dim3A_100 = vector.shape_cast %reduce_max3A_99 : vector<20480xi32> to vector<1x20480xi32>
    %convert_element_type3A_101 = arith.sitofp %broadcast_in_dim3A_68 : vector<1x20480xi32> to vector<1x20480xf32>
    %convert_element_type3A_102 = arith.sitofp %broadcast_in_dim3A_100 : vector<1x20480xi32> to vector<1x20480xf32>
    %iota3A_103 = tpu.iota {dimensions = array<i32: 0>} : vector<64x1xi32>
    %jit3A_104 = arith.constant 0.000000e+00 : f32
    %broadcast_in_dim3A_105 = vector.shape_cast %convert_element_type3A_101 : vector<1x20480xf32> to vector<1x20480xf32>
    %broadcast_in_dim3A_106 = vector.broadcast %broadcast_in_dim3A_105 : vector<1x20480xf32> to vector<64x20480xf32>
    %broadcast_in_dim3A_107 = vector.broadcast %jit3A_104 : f32 to vector<64x20480xf32>
    %select_n3A_108 = arith.select %eq3A_84, %broadcast_in_dim3A_106, %broadcast_in_dim3A_107 : vector<64x20480xi1>, vector<64x20480xf32>
    %reduce_sum3A = arith.constant dense<0.000000e+00> : vector<64xf32>
    %reduce_sum3A_109 = vector.multi_reduction <add>, %select_n3A_108, %reduce_sum3A [1] : vector<64x20480xf32> to vector<64xf32>
    %broadcast_in_dim3A_110 = vector.shape_cast %reduce_sum3A_109 : vector<64xf32> to vector<64x1xf32>
    %jit3A_111 = arith.constant 0.000000e+00 : f32
    %broadcast_in_dim3A_112 = vector.shape_cast %convert_element_type3A_102 : vector<1x20480xf32> to vector<1x20480xf32>
    %broadcast_in_dim3A_113 = vector.broadcast %broadcast_in_dim3A_112 : vector<1x20480xf32> to vector<64x20480xf32>
    %broadcast_in_dim3A_114 = vector.broadcast %jit3A_111 : f32 to vector<64x20480xf32>
    %select_n3A_115 = arith.select %eq3A_84, %broadcast_in_dim3A_113, %broadcast_in_dim3A_114 : vector<64x20480xi1>, vector<64x20480xf32>
    %reduce_sum3A_116 = arith.constant dense<0.000000e+00> : vector<64xf32>
    %reduce_sum3A_117 = vector.multi_reduction <add>, %select_n3A_115, %reduce_sum3A_116 [1] : vector<64x20480xf32> to vector<64xf32>
    %broadcast_in_dim3A_118 = vector.shape_cast %reduce_sum3A_117 : vector<64xf32> to vector<64x1xf32>
    %get3A_119 = arith.constant 0 : index
    %get3A_120 = arith.constant 0 : index
    %get3A_121 = arith.constant 0 : index
    %get3A_122 = vector.load %arg7[%get3A_119, %get3A_120, %get3A_121] : memref<1x4x20480xf32, #tpu.memory_space<vmem>>, vector<1x4x20480xf32>
    %get3A_123 = vector.shape_cast %get3A_122 : vector<1x4x20480xf32> to vector<4x20480xf32>
    %slice3A = vector.extract_strided_slice %get3A_123 {offsets = [0, 0], sizes = [1, 20480], strides = [1, 1]} : vector<4x20480xf32> to vector<1x20480xf32>
    %jit3A_124 = arith.constant 0.000000e+00 : f32
    %broadcast_in_dim3A_125 = vector.shape_cast %slice3A : vector<1x20480xf32> to vector<1x20480xf32>
    %broadcast_in_dim3A_126 = vector.broadcast %broadcast_in_dim3A_125 : vector<1x20480xf32> to vector<64x20480xf32>
    %broadcast_in_dim3A_127 = vector.broadcast %jit3A_124 : f32 to vector<64x20480xf32>
    %select_n3A_128 = arith.select %eq3A_84, %broadcast_in_dim3A_126, %broadcast_in_dim3A_127 : vector<64x20480xi1>, vector<64x20480xf32>
    %reduce_sum3A_129 = arith.constant dense<0.000000e+00> : vector<64xf32>
    %reduce_sum3A_130 = vector.multi_reduction <add>, %select_n3A_128, %reduce_sum3A_129 [1] : vector<64x20480xf32> to vector<64xf32>
    %broadcast_in_dim3A_131 = vector.shape_cast %reduce_sum3A_130 : vector<64xf32> to vector<64x1xf32>
    %slice3A_132 = vector.extract_strided_slice %get3A_123 {offsets = [1, 0], sizes = [1, 20480], strides = [1, 1]} : vector<4x20480xf32> to vector<1x20480xf32>
    %jit3A_133 = arith.constant 0.000000e+00 : f32
    %broadcast_in_dim3A_134 = vector.shape_cast %slice3A_132 : vector<1x20480xf32> to vector<1x20480xf32>
    %broadcast_in_dim3A_135 = vector.broadcast %broadcast_in_dim3A_134 : vector<1x20480xf32> to vector<64x20480xf32>
    %broadcast_in_dim3A_136 = vector.broadcast %jit3A_133 : f32 to vector<64x20480xf32>
    %select_n3A_137 = arith.select %eq3A_84, %broadcast_in_dim3A_135, %broadcast_in_dim3A_136 : vector<64x20480xi1>, vector<64x20480xf32>
    %reduce_sum3A_138 = arith.constant dense<0.000000e+00> : vector<64xf32>
    %reduce_sum3A_139 = vector.multi_reduction <add>, %select_n3A_137, %reduce_sum3A_138 [1] : vector<64x20480xf32> to vector<64xf32>
    %broadcast_in_dim3A_140 = vector.shape_cast %reduce_sum3A_139 : vector<64xf32> to vector<64x1xf32>
    %slice3A_141 = vector.extract_strided_slice %get3A_123 {offsets = [2, 0], sizes = [1, 20480], strides = [1, 1]} : vector<4x20480xf32> to vector<1x20480xf32>
    %jit3A_142 = arith.constant 0.000000e+00 : f32
    %broadcast_in_dim3A_143 = vector.shape_cast %slice3A_141 : vector<1x20480xf32> to vector<1x20480xf32>
    %broadcast_in_dim3A_144 = vector.broadcast %broadcast_in_dim3A_143 : vector<1x20480xf32> to vector<64x20480xf32>
    %broadcast_in_dim3A_145 = vector.broadcast %jit3A_142 : f32 to vector<64x20480xf32>
    %select_n3A_146 = arith.select %eq3A_84, %broadcast_in_dim3A_144, %broadcast_in_dim3A_145 : vector<64x20480xi1>, vector<64x20480xf32>
    %reduce_sum3A_147 = arith.constant dense<0.000000e+00> : vector<64xf32>
    %reduce_sum3A_148 = vector.multi_reduction <add>, %select_n3A_146, %reduce_sum3A_147 [1] : vector<64x20480xf32> to vector<64xf32>
    %broadcast_in_dim3A_149 = vector.shape_cast %reduce_sum3A_148 : vector<64xf32> to vector<64x1xf32>
    %slice3A_150 = vector.extract_strided_slice %get3A_123 {offsets = [3, 0], sizes = [1, 20480], strides = [1, 1]} : vector<4x20480xf32> to vector<1x20480xf32>
    %jit3A_151 = arith.constant 0.000000e+00 : f32
    %broadcast_in_dim3A_152 = vector.shape_cast %slice3A_150 : vector<1x20480xf32> to vector<1x20480xf32>
    %broadcast_in_dim3A_153 = vector.broadcast %broadcast_in_dim3A_152 : vector<1x20480xf32> to vector<64x20480xf32>
    %broadcast_in_dim3A_154 = vector.broadcast %jit3A_151 : f32 to vector<64x20480xf32>
    %select_n3A_155 = arith.select %eq3A_84, %broadcast_in_dim3A_153, %broadcast_in_dim3A_154 : vector<64x20480xi1>, vector<64x20480xf32>
    %reduce_sum3A_156 = arith.constant dense<0.000000e+00> : vector<64xf32>
    %reduce_sum3A_157 = vector.multi_reduction <add>, %select_n3A_155, %reduce_sum3A_156 [1] : vector<64x20480xf32> to vector<64xf32>
    %broadcast_in_dim3A_158 = vector.shape_cast %reduce_sum3A_157 : vector<64xf32> to vector<64x1xf32>
    %concatenate3A = tpu.concatenate %broadcast_in_dim3A_131, %broadcast_in_dim3A_140, %broadcast_in_dim3A_149, %broadcast_in_dim3A_158 in 1 : vector<64x1xf32>, vector<64x1xf32>, vector<64x1xf32>, vector<64x1xf32> -> vector<64x4xf32>
    %swap3A = arith.constant 0 : index
    %swap3A_159 = arith.constant 0 : index
    %swap3A_160 = vector.load %arg9[%swap3A, %swap3A_159] : memref<64x4xf32, #tpu.memory_space<vmem>>, vector<64x4xf32>
    tpu.vector_store %arg9[%swap3A, %swap3A_159], %concatenate3A {strides = array<i32>} : memref<64x4xf32, #tpu.memory_space<vmem>>, vector<64x4xf32>,
    %mul3A_161 = arith.constant 64 : i32
    %mul3A_162 = arith.muli %arg0, %mul3A_161 : i32
    %convert_element_type3A_163 = arith.fptosi %broadcast_in_dim3A_110 : vector<64x1xf32> to vector<64x1xi32>
    %add3A_164 = vector.broadcast %mul3A_162 : i32 to vector<64x1xi32>
    %add3A_165 = arith.addi %add3A_164, %convert_element_type3A_163 : vector<64x1xi32>
    %swap3A_166 = arith.constant 0 : index
    %swap3A_167 = arith.constant 0 : index
    %swap3A_168 = vector.load %arg10[%swap3A_166, %swap3A_167] : memref<64x1xi32, #tpu.memory_space<vmem>>, vector<64x1xi32>
    tpu.vector_store %arg10[%swap3A_166, %swap3A_167], %add3A_165 {strides = array<i32>} : memref<64x1xi32, #tpu.memory_space<vmem>>, vector<64x1xi32>,
    %convert_element_type3A_169 = arith.fptosi %broadcast_in_dim3A_118 : vector<64x1xf32> to vector<64x1xi32>
    %eq3A_170 = arith.cmpi eq, %convert_element_type3A_169, %iota3A_103 : vector<64x1xi32>
    %convert_element_type3A_171 = arith.extui %eq3A_170 : vector<64x1xi1> to vector<64x1xi32>
    %convert_element_type3A_172 = arith.sitofp %convert_element_type3A_171 : vector<64x1xi32> to vector<64x1xf32>
    %swap3A_173 = arith.constant 0 : index
    %swap3A_174 = arith.constant 0 : index
    %swap3A_175 = vector.load %arg11[%swap3A_173, %swap3A_174] : memref<64x1xf32, #tpu.memory_space<vmem>>, vector<64x1xf32>
    tpu.vector_store %arg11[%swap3A_173, %swap3A_174], %convert_element_type3A_172 {strides = array<i32>} : memref<64x1xf32, #tpu.memory_space<vmem>>, vector<64x1xf32>,
    %eq3A_176 = vector.broadcast %broadcast_in_dim3A_68 : vector<1x20480xi32> to vector<64x20480xi32>
    %eq3A_177 = arith.cmpi eq, %iota3A_2, %eq3A_176 : vector<64x20480xi32>
    %convert_element_type3A_178 = arith.extui %eq3A_177 : vector<64x20480xi1> to vector<64x20480xi32>
    %convert_element_type3A_179 = arith.sitofp %convert_element_type3A_178 : vector<64x20480xi32> to vector<64x20480xf32>
    %get3A_180 = arith.constant 0 : index
    %get3A_181 = arith.constant 0 : index
    %get3A_182 = arith.constant 0 : index
    %get3A_183 = vector.load %arg6[%get3A_180, %get3A_181, %get3A_182] : memref<1x4x64xf32, #tpu.memory_space<vmem>>, vector<1x4x64xf32>
    %get3A_184 = vector.shape_cast %get3A_183 : vector<1x4x64xf32> to vector<4x64xf32>
    %dot_general3A = arith.constant dense<0.000000e+00> : vector<4x20480xf32>
    %dot_general3A_185 = tpu.matmul %get3A_184, %convert_element_type3A_179, %dot_general3A {dimension_numbers = #tpu.dot_dimension_numbers<[1], [0], [0], [1], [0, 0, 1, 1], [], []>, transpose_lhs_hint = false} : vector<4x64xf32>, vector<64x20480xf32>, vector<4x20480xf32> -> vector<4x20480xf32>
    %lt3A = arith.constant 20000 : i32
    %lt3A_186 = vector.broadcast %lt3A : i32 to vector<1x20480xi32>
    %lt3A_187 = arith.cmpi slt, %iota3A, %lt3A_186 : vector<1x20480xi32>
    %get3A_188 = arith.constant 0 : index
    %get3A_189 = arith.constant 0 : index
    %get3A_190 = memref.load %arg12[%get3A_188, %get3A_189] : memref<1x1xf32, #tpu.memory_space<smem>>
    %sub3A_191 = arith.subf %get3A_123, %dot_general3A_185 : vector<4x20480xf32>
    %abs3A = math.absf %sub3A_191 : vector<4x20480xf32>
    %jit3A_192 = arith.constant 0.000000e+00 : f32
    %broadcast_in_dim3A_193 = vector.shape_cast %lt3A_187 : vector<1x20480xi1> to vector<1x20480xi1>
    %broadcast_in_dim3A_194 = vector.broadcast %broadcast_in_dim3A_193 : vector<1x20480xi1> to vector<4x20480xi1>
    %broadcast_in_dim3A_195 = vector.broadcast %jit3A_192 : f32 to vector<4x20480xf32>
    %select_n3A_196 = arith.select %broadcast_in_dim3A_194, %abs3A, %broadcast_in_dim3A_195 : vector<4x20480xi1>, vector<4x20480xf32>
    %reduce_sum3A_197 = vector.shape_cast %select_n3A_196 : vector<4x20480xf32> to vector<1x4x20480xf32>
    %reduce_sum3A_198 = arith.constant dense<0.000000e+00> : vector<1xf32>
    %reduce_sum3A_199 = vector.multi_reduction <add>, %reduce_sum3A_197, %reduce_sum3A_198 [1, 2] : vector<1x4x20480xf32> to vector<1xf32>
    %reduce_sum3A_200 = vector.shape_cast %reduce_sum3A_199 : vector<1xf32> to vector<1x1x1xf32>
    %reduce_sum3A_201 = vector.extract %reduce_sum3A_200[0, 0, 0] : f32 from vector<1x1x1xf32>
    %add3A_202 = arith.addf %get3A_190, %reduce_sum3A_201 : f32
    %swap3A_203 = arith.constant 0 : index
    %swap3A_204 = arith.constant 0 : index
    %swap3A_205 = memref.load %arg12[%swap3A_203, %swap3A_204] : memref<1x1xf32, #tpu.memory_space<smem>>
    memref.store %add3A_202, %arg12[%swap3A_203, %swap3A_204] : memref<1x1xf32, #tpu.memory_space<smem>>
    %eq3A_206 = arith.constant 7 : i32
    %eq3A_207 = arith.cmpi eq, %arg0, %eq3A_206 : i32
    %convert_element_type3A_208 = arith.extui %eq3A_207 : i1 to i32
    %cond3A_209 = arith.constant 0 : i32
    %cond3A_210 = arith.cmpi ne, %convert_element_type3A_208, %cond3A_209 : i32
    scf.if %cond3A_210 {
      %get3A_211 = arith.constant 0 : index
      %get3A_212 = arith.constant 0 : index
      %get3A_213 = vector.load %arg8[%get3A_211, %get3A_212] : memref<2x20480xf32, #tpu.memory_space<vmem>>, vector<1x20480xf32>
      %get3A_214 = arith.constant 1 : index
      %get3A_215 = arith.constant 0 : index
      %get3A_216 = vector.load %arg8[%get3A_214, %get3A_215] : memref<2x20480xf32, #tpu.memory_space<vmem>>, vector<1x20480xf32>
      %max3A_217 = arith.maximumf %get3A_213, %get3A_216 : vector<1x20480xf32>
      %sub3A_218 = arith.subf %get3A_213, %max3A_217 : vector<1x20480xf32>
      %exp3A = math.exp %sub3A_218 : vector<1x20480xf32>
      %sub3A_219 = arith.subf %get3A_216, %max3A_217 : vector<1x20480xf32>
      %exp3A_220 = math.exp %sub3A_219 : vector<1x20480xf32>
      %add3A_221 = arith.addf %exp3A, %exp3A_220 : vector<1x20480xf32>
      %log3A = math.log %add3A_221 : vector<1x20480xf32>
      %add3A_222 = arith.addf %max3A_217, %log3A : vector<1x20480xf32>
      %ge3A = arith.constant 6.000000e-01 : f32
      %ge3A_223 = vector.broadcast %ge3A : f32 to vector<1x20480xf32>
      %ge3A_224 = arith.cmpf oge, %broadcast_in_dim3A, %ge3A_223 : vector<1x20480xf32>
      %or3A = arith.ori %gt3A_94, %ge3A_224 : vector<1x20480xi1>
      %select_n3A_225 = arith.select %or3A, %get3A_216, %get3A_213 : vector<1x20480xi1>, vector<1x20480xf32>
      %sub3A_226 = arith.subf %select_n3A_225, %add3A_222 : vector<1x20480xf32>
      %get3A_227 = arith.constant 0 : index
      %get3A_228 = arith.constant 0 : index
      %get3A_229 = memref.load %arg13[%get3A_227, %get3A_228] : memref<1x1xf32, #tpu.memory_space<smem>>
      %jit3A_230 = arith.constant 0.000000e+00 : f32
      %broadcast_in_dim3A_231 = vector.broadcast %jit3A_230 : f32 to vector<1x20480xf32>
      %select_n3A_232 = arith.select %lt3A_187, %sub3A_226, %broadcast_in_dim3A_231 : vector<1x20480xi1>, vector<1x20480xf32>
      %reduce_sum3A_233 = vector.shape_cast %select_n3A_232 : vector<1x20480xf32> to vector<1x1x20480xf32>
      %reduce_sum3A_234 = arith.constant dense<0.000000e+00> : vector<1xf32>
      %reduce_sum3A_235 = vector.multi_reduction <add>, %reduce_sum3A_233, %reduce_sum3A_234 [1, 2] : vector<1x1x20480xf32> to vector<1xf32>
      %reduce_sum3A_236 = vector.shape_cast %reduce_sum3A_235 : vector<1xf32> to vector<1x1x1xf32>
      %reduce_sum3A_237 = vector.extract %reduce_sum3A_236[0, 0, 0] : f32 from vector<1x1x1xf32>
      %add3A_238 = arith.addf %get3A_229, %reduce_sum3A_237 : f32
      %swap3A_239 = arith.constant 0 : index
      %swap3A_240 = arith.constant 0 : index
      %swap3A_241 = memref.load %arg13[%swap3A_239, %swap3A_240] : memref<1x1xf32, #tpu.memory_space<smem>>
      memref.store %add3A_238, %arg13[%swap3A_239, %swap3A_240] : memref<1x1xf32, #tpu.memory_space<smem>>
    } else {
    }
    return
  }
  func.func @transform_0(%arg0: i32) -> (i32, i32) {
    %c0_i32 = arith.constant 0 : i32
    %c0_i32_0 = arith.constant 0 : i32
    %c0_i32_1 = arith.constant 0 : i32
    return %c0_i32, %c0_i32_0 : i32, i32
  }
  func.func @transform_1(%arg0: i32) -> (i32, i32, i32) {
    %c0_i32 = arith.constant 0 : i32
    %c0_i32_0 = arith.constant 0 : i32
    %c0_i32_1 = arith.constant 0 : i32
    return %arg0, %c0_i32, %c0_i32_0 : i32, i32, i32
  }
  func.func @transform_2(%arg0: i32) -> (i32, i32, i32) {
    %c0_i32 = arith.constant 0 : i32
    %c0_i32_0 = arith.constant 0 : i32
    %c0_i32_1 = arith.constant 0 : i32
    return %arg0, %c0_i32, %c0_i32_0 : i32, i32, i32
  }
  func.func @transform_3(%arg0: i32) -> (i32, i32, i32) {
    %c0_i32 = arith.constant 0 : i32
    %c0_i32_0 = arith.constant 0 : i32
    %c0_i32_1 = arith.constant 0 : i32
    return %arg0, %c0_i32, %c0_i32_0 : i32, i32, i32
  }
  func.func @transform_4(%arg0: i32) -> (i32, i32, i32) {
    %c0_i32 = arith.constant 0 : i32
    %c0_i32_0 = arith.constant 0 : i32
    %c0_i32_1 = arith.constant 0 : i32
    return %arg0, %c0_i32, %c0_i32_0 : i32, i32, i32
  }
  func.func @transform_5(%arg0: i32) -> (i32, i32, i32) {
    %c0_i32 = arith.constant 0 : i32
    %c0_i32_0 = arith.constant 0 : i32
    %c0_i32_1 = arith.constant 0 : i32
    return %arg0, %c0_i32, %c0_i32_0 : i32, i32, i32
  }
  func.func @transform_6(%arg0: i32) -> (i32, i32, i32) {
    %c0_i32 = arith.constant 0 : i32
    %c0_i32_0 = arith.constant 0 : i32
    %c0_i32_1 = arith.constant 0 : i32
    return %arg0, %c0_i32, %c0_i32_0 : i32, i32, i32
  }
  func.func @transform_7(%arg0: i32) -> (i32, i32) {
    %c0_i32 = arith.constant 0 : i32
    %c0_i32_0 = arith.constant 0 : i32
    %c0_i32_1 = arith.constant 0 : i32
    return %c0_i32, %c0_i32_0 : i32, i32
  }
  func.func @transform_8(%arg0: i32) -> (i32, i32) {
    %c0_i32 = arith.constant 0 : i32
    %c0_i32_0 = arith.constant 0 : i32
    return %arg0, %c0_i32 : i32, i32
  }
  func.func @transform_9(%arg0: i32) -> (i32, i32) {
    %c0_i32 = arith.constant 0 : i32
    %c0_i32_0 = arith.constant 0 : i32
    return %arg0, %c0_i32 : i32, i32
  }
  func.func @transform_10(%arg0: i32) -> (i32, i32) {
    %c0_i32 = arith.constant 0 : i32
    %c0_i32_0 = arith.constant 0 : i32
    return %arg0, %c0_i32 : i32, i32
  }
  func.func @transform_11(%arg0: i32) -> (i32, i32) {
    %c0_i32 = arith.constant 0 : i32
    %c0_i32_0 = arith.constant 0 : i32
    %c0_i32_1 = arith.constant 0 : i32
    return %c0_i32, %c0_i32_0 : i32, i32
  }
  func.func @transform_12(%arg0: i32) -> (i32, i32) {
    %c0_i32 = arith.constant 0 : i32
    %c0_i32_0 = arith.constant 0 : i32
    %c0_i32_1 = arith.constant 0 : i32
    return %c0_i32, %c0_i32_0 : i32, i32
  }
}

</mosaic_0001>

<sc_bundles>
// kernel: kernel.4.cloned.1.call-start
scs
__scs_entry_jumppad:
0x0: {  	(pc) =	sbr.rel $0x88, $3  }
0x1: {  	(tag) =	ssettag $0x0;
	lr =	simm.s32 $0x1  }
0x2: {  	[smem:$0x3F9D] =	sst lr;
	_ =	strace $0xD0000000  }
0x3: {  	_ = 	snop  }
0x4: {  	_ = 	snop  }
0x5: {  	_ = 	snop  }
0x6: {  	_ = 	snop  }
0x7: {  	_ = 	snop  }
__scs_overlays_trampoline_lowered:
0x8: {  	[smem:$0x3FAC] =	sst s0  }
0x9: {  	[smem:$0x3FAD] =	sst s1  }
0xa: {  	[smem:$0x3FAE] =	sst s2  }
0xb: {  	[smem:$0x3FAF] =	sst s3  }
0xc: {  	[smem:$0x3FB0] =	sst s4  }
0xd: {  	[smem:$0x3FB1] =	sst s5  }
0xe: {  	[smem:$0x3FB2] =	sst s6  }
0xf: {  	[smem:$0x3FB3] =	sst s7  }
0x10: {  	[smem:$0x3FB4] =	sst s8  }
0x11: {  	[smem:$0x3FB5] =	sst s9;
	s0 =	simm.s32 @!p0 $0x0  }
0x12: {  	s1 =	sld [smem:$0x3F9B];
	s0 =	simm.s32 @p0 $0x1  }
0x13: {  	[smem:$0x3FB6] =	sst s0;
	s0 =	simm.s32 @!p1 $0x0  }
0x14: {  	s2 =	sld [smem:$0x3F9A];
	s0 =	simm.s32 @p1 $0x1  }
0x15: {  	[smem:$0x3FB7] =	sst s0;
	s0 =	simm.s32 @!p2 $0x0  }
0x16: {  	s3 =	sld [smem:$0x3FDB];
	s0 =	simm.s32 @p2 $0x1  }
0x17: {  	s4 =	simm.s32 $0x1BF5;
	[smem:$0x3FB9] =	sst s0  }
0x18: {  	s0 =	sld [smem:$0x3F9C];
	_ =	swait.ge [sflag:s4], $0x0  }
0x19: {  	s7 =	sld [smem:$0x3F9D]  }
0x1a: {  	s8 =	sadd.s32 $0xFFFFE003, lr  }
0x1b: {  	s9 =	sadd.s32 $0xFFFFFEF7, lr;
	s5 =	simm.s32 $0xFFFFFFFF;
	p2 =	slt.u32 s8, $0xFFFFF086  }
0x1c: {  	p1 =	slt.u32 s9, $0xF7A;
	s5 =	simm.s32 @!p2 $0x0  }
0x1d: {  	s5 =	simm.s32 @p1 $0x1;
	p0 =	seq.s32 s7, s2  }
0x1e: {  	s7 =	smul.u32 @!p0 $0xF7A, s2;
	p2 =	seq.s32 @!p0 s5, $0x0  }
0x1f: {  	s9 =	smul.u32 $0xF7A, s1;
	s8 =	simm.s32 @!p0 $0x1BF5;
	p2 =	por !p2, p0  }
0x20: {  	[sflag:s8] =	ssyncset.s32 @!p0 $0xFFFFF086;
	s6 =	sadd.s32 @!p0 s3, s7;
	s7 =	simm.s32 @!p0 $0x108  }
0x21: {  	s3 =	sadd.s32 s3, s9;
	s6 =	sadd.s32 @!p0 $0x88, s6;
	s7 =	simm.s32 @p2 $0x1082  }
0x22: {  	[simem:s7], [sflag:s8] =	dma.local @!p0 [hbm:s6], $0xF7A  }
0x23: {  	s9 =	sor.u32 $0xD0000000, s2;
	s6 =	simm.s32 $0x108;
	_ =	swait.ge @!p0 [sflag:s8], $0x0  }
0x24: {  	s3 =	sadd.s32 $0x88, s3;
	s6 =	simm.s32 @!p1 $0x1082;
	[sflag:s4] =	ssyncset.s32 $0xFFFFF086  }
0x25: {  	[simem:s6], [sflag:s4] =	dma.local [hbm:s3], $0xF7A  }
0x26: {  	[smem:$0x3F9D] =	sst s1;
	(tag) =	ssettag s2;
	_ =	strace s9  }
0x27: {  	s1 =	sld [smem:$0x3FAD]  }
0x28: {  	s2 =	sld [smem:$0x3FAE]  }
0x29: {  	s4 =	sld [smem:$0x3FB0]  }
0x2a: {  	p0 =	seq.s32 s5, $0x0;
	s5 =	sld [smem:$0x3FB1]  }
0x2b: {  	s6 =	sld [smem:$0x3FB2]  }
0x2c: {  	s7 =	sld [smem:$0x3FB3]  }
0x2d: {  	s3 =	simm.s32 $0x108;
	s8 =	sld [smem:$0x3FB4]  }
0x2e: {  	s3 =	simm.s32 @!p0 $0x1082;
	s9 =	sld [smem:$0x3FB5]  }
0x2f: {  	lr =	sadd.s32 s0, s3;
	s0 =	sld [smem:$0x3FAC]  }
0x30: {  	s3 =	sld [smem:$0x3FAF]  }
0x31: {  	[smem:$0x3FB8] =	sst s10  }
0x32: {  	s10 =	sld [smem:$0x3FB6];
	_ =	sdelay $0x3  }
0x33: {  	p0 =	seq.s32 s10, $0x1;
	s10 =	sld [smem:$0x3FB8];
	_ =	sdelay $0x3  }
0x34: {  	[smem:$0x3FB8] =	sst s10  }
0x35: {  	s10 =	sld [smem:$0x3FB7];
	_ =	sdelay $0x3  }
0x36: {  	p1 =	seq.s32 s10, $0x1;
	s10 =	sld [smem:$0x3FB8];
	_ =	sdelay $0x3  }
0x37: {  	[smem:$0x3FB8] =	sst s10  }
0x38: {  	s10 =	sld [smem:$0x3FB9]  }
0x39: {  	_ = 	snop;
	(pc) =	sbr.ind lr, $3  }
0x3a: {  	_ = 	snop  }
0x3b: {  	_ = 	snop  }
0x3c: {  	p2 =	seq.s32 s10, $0x1;
	s10 =	sld [smem:$0x3FB8]  }
0x3d: {  	_ =	shalt  }
0x3e: {  	_ =	shalt  }
0x3f: {  	_ =	shalt  }
0x40: {  	_ =	shalt  }
0x41: {  	_ =	shalt  }
0x42: {  	_ =	shalt  }
0x43: {  	_ =	shalt  }
0x44: {  	_ =	shalt  }
0x45: {  	_ =	shalt  }
0x46: {  	_ =	shalt  }
0x47: {  	_ =	shalt  }
0x48: {  	_ =	shalt  }
0x49: {  	_ =	shalt  }
0x4a: {  	_ =	shalt  }
0x4b: {  	_ =	shalt  }
0x4c: {  	_ =	shalt  }
0x4d: {  	_ =	shalt  }
0x4e: {  	_ =	shalt  }
0x4f: {  	_ =	shalt  }
0x50: {  	_ =	shalt  }
0x51: {  	_ =	shalt  }
0x52: {  	_ =	shalt  }
0x53: {  	_ =	shalt  }
0x54: {  	_ =	shalt  }
0x55: {  	_ =	shalt  }
0x56: {  	_ =	shalt  }
0x57: {  	_ =	shalt  }
0x58: {  	_ =	shalt  }
0x59: {  	_ =	shalt  }
0x5a: {  	_ =	shalt  }
0x5b: {  	_ =	shalt  }
0x5c: {  	_ =	shalt  }
0x5d: {  	_ =	shalt  }
0x5e: {  	_ =	shalt  }
0x5f: {  	_ =	shalt  }
0x60: {  	_ =	shalt  }
0x61: {  	_ =	shalt  }
0x62: {  	_ =	shalt  }
0x63: {  	_ =	shalt  }
0x64: {  	_ =	shalt  }
0x65: {  	_ =	shalt  }
0x66: {  	_ =	shalt  }
0x67: {  	_ =	shalt  }
0x68: {  	_ =	shalt  }
0x69: {  	_ =	shalt  }
0x6a: {  	_ =	shalt  }
0x6b: {  	_ =	shalt  }
0x6c: {  	_ =	shalt  }
0x6d: {  	_ =	shalt  }
0x6e: {  	_ =	shalt  }
0x6f: {  	_ =	shalt  }
0x70: {  	_ =	shalt  }
0x71: {  	_ =	shalt  }
0x72: {  	_ =	shalt  }
0x73: {  	_ =	shalt  }
0x74: {  	_ =	shalt  }
0x75: {  	_ =	shalt  }
0x76: {  	_ =	shalt  }
0x77: {  	_ =	shalt  }
0x78: {  	_ =	shalt  }
0x79: {  	_ =	shalt  }
0x7a: {  	_ =	shalt  }
0x7b: {  	_ =	shalt  }
0x7c: {  	_ =	shalt  }
0x7d: {  	_ =	shalt  }
0x7e: {  	_ =	shalt  }
0x7f: {  	_ =	shalt  }
0x80: {  	_ =	shalt  }
0x81: {  	_ =	shalt  }
0x82: {  	_ =	shalt  }
0x83: {  	_ =	shalt  }
0x84: {  	_ =	shalt  }
0x85: {  	_ =	shalt  }
0x86: {  	_ =	shalt  }
0x87: {  	_ =	shalt  }
.Lfunc_end0:
.L_simem_size_0:
called_computation_lowered:
.L_overlay_start_0:
0x88: {  	s2 =	sld [smem:$0x3FD9]  }
0x89: {  	s3 =	sld [smem:$0x3FFE];
	_ =	sdelay $0x1  }
0x8a: {  	s1 =	srdreg.scid  }
0x8b: {  	s0 =	sand.u32 $0x1, s1  }
0x8c: {  	s16 =	sshll.u32 s0, $0xA;
	s2 =	sadd.s32 s3, s2  }
0x8d: {  	s2 =	sadd.s32 s2, s16  }
0x8e: {  	[smem:$0x3FC4] =	sst s2  }
0x8f: {  	_ = 	snop  }
0x90: {  	(tm) =	ssettm $0x1  }
0x91: {  	s17 =	sld [smem:$0x3FFB];
	_ =	sdelay $0x3  }
0x92: {  	_ =	strace s17  }
0x93: {  	s2 =	sld [smem:$0x3FFC];
	_ =	sdelay $0x3  }
0x94: {  	_ =	strace s2  }
0x95: {  	s2 =	sld [smem:$0x3FFD];
	_ =	sdelay $0x3  }
0x96: {  	_ =	strace s2  }
0x97: {  	_ =	strace $0x8FFFFFFF  }
0x98: {  	s18 =	sld [smem:$0x3FDB];
	_ =	sdelay $0x1  }
0x99: {  	s19 =	simm.s32 $_scs_section_size  }
0x9a: {  	s4 =	simm.s32 $_size__tile_overlayer_lowered;
	s5 =	simm.s32 $_tile_overlayer_lowered  }
0x9b: {  	s22 =	simm.s32 $0x1BFF;
	s21 =	sshll.u32 s5, $0x1;
	s2 =	sadd.s32 s19, s18  }
0x9c: {  	s6 =	simm.s32 $0x0;
	s20 =	sshll.u32 s4, $0x1;
	s4 =	sadd.s32 s21, s2  }
0x9d: {  	[timem:s6], [sflag:s22] =	dma.local [hbm:s4], s20  }
0x9e: {  	_ =	swait.ge [sflag:s22], s20  }
0x9f: {  	s3 =	ssub.s32 $0x0, s20;
	[sflag:s22] =	ssyncset.done $0x0  }
0xa0: {  	[sflag:s22] =	ssyncadd.s32 s3;
	_ =	sdelay $0x1  }
0xa1: {  	s23 =	simm.s32 $0x1B8B  }
0xa2: {  	_ =	swait.ge [sflag:s23], $0x1  }
0xa3: {  	[sflag:s23] =	ssyncset.done $0x0  }
0xa4: {  	s25 =	simm.s32 $0x1B8E;
	s24 =	sld [smem:$0x3FFE];
	[sflag:s23] =	ssyncadd.s32 $0xFFFFFFFF  }
0xa5: {  	s26 =	simm.s32 $execute0_lowered;
	[smem:$0x3FD2] =	sst s25  }
0xa6: {  	s4 =	sshll.u32 s26, $0x1;
	_ =	strace $0x80000046;
	[dreg:$0x1] =	wrdreg $0xFFFFFFFF  }
0xa7: {  	s28 =	simm.s32 $_size_execute0_lowered;
	s2 =	sadd.s32 s2, s4;
	[dreg:$0x0] =	wrdreg $0x0  }
0xa8: {  	s4 =	sshll.u32 s28, $0x1;
	[dreg:$0x2] =	wrdreg s2  }
0xa9: {  	[dreg:$0x3] =	wrdreg s4  }
0xaa: {  	[dreg:$0x4] =	wrdreg $0xC0  }
0xab: {  	_ =	task [dreg:s6], $0x5FFFF  }
0xac: {  	[dreg:$0x1] =	wrdreg $0xFFFFFFFF  }
0xad: {  	[dreg:$0x0] =	wrdreg $0x60  }
0xae: {  	[dreg:$0x2] =	wrdreg s24  }
0xaf: {  	[dreg:$0x3] =	wrdreg $0x9  }
0xb0: {  	_ =	task.clear_ibuf [dreg:s6], $0x4FFFF;
	_ =	strace $0x90000046  }
0xb1: {  	s29 =	simm.s32 $0x9;
	_ =	strace $0x80000048  }
0xb2: {  	_ =	swait.ge [sflag:s29], $0x1  }
0xb3: {  	[sflag:s29] =	ssyncadd.s32 $0xFFFFFFFF  }
0xb4: {  	_ =	strace $0x90000048  }
0xb5: {  	_ =	sfence  }
0xb6: {  	s30 =	sld [smem:$0x0];
	_ =	sdelay $0x2  }
0xb7: {  	s31 =	sshll.u32 s1, $0xD;
	s1 =	sshrl.u32 s1, $0x2  }
0xb8: {  	s3 =	sand.u32 $0x4000, s31;
	s1 =	sadd.s32 s1, s30  }
0xb9: {  	s0 =	sor.u32 s3, s0;
	s1 =	sshll.u32 s1, $0x11  }
0xba: {  	s0 =	sor.u32 s1, s0  }
0xbb: {  	s0 =	sadd.s32 $0x8F2B, s0  }
0xbc: {  	[sflag:s0] =	ssyncadd.remote.s32 $0x1  }
0xbd: {  	_ =	sfence.sel $0xFFFF  }
0xbe: {  	[dreg:$0x0] =	wrdreg $0xFFFFFFFF;
	(pc) =	sbr.abs _section_cstart, $3  }
0xbf: {  	[dreg:$0x1] =	wrdreg $0xFFFFFFFF  }
0xc0: {  	_ =	task.clear_ibuf [dreg:s6], $0x2FFFF;
	_ =	strace $0x9FFFFFFF  }
0xc1: {  	(tm) =	ssettm $0x7FFFFFFF  }
tec
execute0_lowered:
.L_overlay_start_1:
0x0: {  	(tag) =	ssettag $0x1  }
0x1: {  	s1 =	srdreg.scid;
	s0 =	stileid.u32  }
0x2: {  	s12 =	sand.u32 $0x1, s1;
	s3 =	sshll.u32 s0, $0x1  }
0x3: {  	s11 =	rddreg [dreg:$0x0];
	s13 =	sor.u32 s12, s3  }
0x4: {  	s2 =	simm.s32 $0x0;
	s5 =	simm.s32 $0x1000;
	s3 =	sshll.u32 s13, $0x8  }
0x5: {  	s4 =	simm.s32 $0x1;
	[smem:$0x7FF] =	sst s2;
	s7 =	sadd.s32 s3, s11  }
0x6: {  	s1 =	rddreg [dreg:$0x1];
	_ =	strace $0x80000047;
	s3 =	sadd.s32 $0x1600, s7  }
0x7: {  	[tilespmem:s5], [sflag:$0x1] =	stream.linear.gather [hbm4b:s3+s2], $0x800, $0x38;
	[tilespmem:$0x2080] =	vst v63  }
0x8: {  	_ =	swait.ge [sflag:s4], $0x800  }
0x9: {  	[sflag:s4] =	ssyncset.done $0x0  }
0xa: {  	s6 =	sadd.s32 $0x3600, s7;
	[sflag:s4] =	ssyncadd.s32 $0xFFFFF800  }
0xb: {  	[tilespmem:s2], [sflag:$0x1] =	stream.linear.gather [hbm4b:s6+s2], $0x800, $0x38;
	[tilespmem:$0x2080] =	vst v63  }
0xc: {  	_ =	swait.ge [sflag:s4], $0x800  }
0xd: {  	[sflag:s4] =	ssyncset.done $0x0  }
0xe: {  	s8 =	simm.s32 $0x800;
	s7 =	sadd.s32 $0x5600, s7;
	[sflag:s4] =	ssyncadd.s32 $0xFFFFF800  }
0xf: {  	[tilespmem:s8], [sflag:$0x1] =	stream.linear.gather [hbm4b:s7+s2], $0x800, $0x38;
	[tilespmem:$0x2080] =	vst v63  }
0x10: {  	v1 =	vlaneseq.u32;
	_ =	swait.ge [sflag:s4], $0x800  }
0x11: {  	s10 =	simm.s32 $0x1800;
	v0 =	vmul.u32 $0x80, v1;
	[sflag:s4] =	ssyncset.done $0x0  }
0x12: {  	s9 =	sadd.s32 $0x1200, s11;
	s14 =	sshll.u32 s13, $0x4;
	[sflag:s4] =	ssyncadd.s32 $0xFFFFF800  }
0x13: {  	v1 =	vmul.u32 $0x4, v1;
	v2 =	vmov s14;
	[tilespmem:s10], [sflag:$0x1] =	stream.linear.gather [hbm4b:s9+s2], $0x800, $0x38;
	[tilespmem:$0x2080] =	vst v63  }
0x14: {  	v2 =	vshll.u32 v2, $0x2;
	_ =	swait.ge [sflag:s4], $0x800  }
0x15: {  	v1 =	vor.u32 v1, v2;
	[sflag:s4] =	ssyncset.done $0x0  }
0x16: {  	v2 =	vor.u32 $0x3, v1;
	[sflag:s4] =	ssyncadd.s32 $0xFFFFF800  }
0x17: {  	v3 =	vor.u32 $0x3, v0;
	v6 =	vld.idx.msk [tilespmem:v0+s2+$0x0], $0xffff  }
0x18: {  	v4 =	vor.u32 $0x2, v1  }
0x19: {  	v5 =	vor.u32 $0x1, v1;
	_ =	sdelay $0x1  }
0x1a: {  	v8 =	vld.idx.msk [tilespmem:v2+s10+$0x0], $0xffff  }
0x1b: {  	v9 =	vld.idx.msk [tilespmem:v3+s5+$0x0], $0xffff;
	v10 =	vshll.u32 v6, $0x2  }
0x1c: {  	v11 =	vld.idx.msk [tilespmem:v4+s10+$0x0], $0xffff;
	v6 =	vor.u32 $0x1, v0  }
0x1d: {  	v12 =	vld.idx.msk [tilespmem:v5+s10+$0x0], $0xffff;
	v13 =	vor.u32 $0x1, v10  }
0x1e: {  	v7 =	vor.u32 $0x2, v0;
	v14 =	vld.idx.msk [tilespmem:v1+s10+$0x0], $0xffff  }
0x1f: {  	v16 =	vld.idx.msk [tilespmem:v0+s5+$0x0], $0xffff;
	v15 =	vor.u32 $0x2, v10  }
0x20: {  	v17 =	vld.idx.msk [tilespmem:v10+s10+$0x0], $0xffff  }
0x21: {  	v10 =	vor.u32 $0x3, v10;
	v18 =	vld.idx.msk [tilespmem:v6+s5+$0x0], $0xffff  }
0x22: {  	v13 =	vld.idx.msk [tilespmem:v13+s10+$0x0], $0xffff  }
0x23: {  	v19 =	vld.idx.msk [tilespmem:v7+s5+$0x0], $0xffff  }
0x24: {  	v14 =	vsub.f32 v16, v14;
	v15 =	vld.idx.msk [tilespmem:v15+s10+$0x0], $0xffff  }
0x25: {  	v20 =	vld.idx.msk [tilespmem:v0+s8+$0x0], $0xffff;
	v16 =	vsub.f32 v16, v17  }
0x26: {  	v14 =	vand.u32 $0x7FFFFFFF, v14;
	v10 =	vld.idx.msk [tilespmem:v10+s10+$0x0], $0xffff  }
0x27: {  	v12 =	vsub.f32 v18, v12;
	v13 =	vsub.f32 v18, v13;
	v16 =	vand.u32 $0x7FFFFFFF, v16  }
0x28: {  	v11 =	vsub.f32 v19, v11;
	v14 =	vsub.f32 v14, v16  }
0x29: {  	v15 =	vsub.f32 v19, v15;
	v12 =	vand.u32 $0x7FFFFFFF, v12;
	v13 =	vand.u32 $0x7FFFFFFF, v13  }
0x2a: {  	v8 =	vsub.f32 v9, v8;
	v12 =	vsub.f32 v12, v13;
	v59 =	vmul.f32 v14, v20  }
0x2b: {  	v60 =	vand.u32 $0x7FFFFFFF, v11;
	v61 =	vand.u32 $0x7FFFFFFF, v15;
	v9 =	vsub.f32 v9, v10  }
0x2c: {  	v10 =	vsub.f32 v60, v61;
	v12 =	vmul.f32 v12, v20;
	v62 =	vadd.f32 $0.0e+00, v59  }
0x2d: {  	v8 =	vand.u32 $0x7FFFFFFF, v8;
	v9 =	vand.u32 $0x7FFFFFFF, v9  }
0x2e: {  	s12 =	ssub.s32 $0x2, s12;
	v10 =	vmul.f32 v10, v20;
	v8 =	vsub.f32 v8, v9;
	v63 =	vadd.f32 v12, v62  }
0x2f: {  	s30 =	sshrl.u32 s12, $0x1  }
0x30: {  	s12 =	ssub.s32 s12, s30;
	v8 =	vmul.f32 v8, v20;
	v9 =	vadd.f32 v10, v63  }
0x31: {  	s31 =	smax.u32 s12, $0x1  }
0x32: {  	s13 =	sshll.u32 s13, $0x1;
	p0 =	sne.s32 s31, $0x1;
	v8 =	vadd.f32 v8, v9  }
.Ltmp0:
0x33: {  	s11 =	sadd.s32 s13, s11;
	(pc) =	sbr.rel @!p0 .LBB2_2-.Ltmp0, $4  }
0x34: {  	s11 =	sadd.s32 $0x7600, s11;
	s12 =	simm.s32 $0x2000;
	[tilespmem:$0x2000] =	vst v8  }
0x35: {  	[hbm4b:s11+s2] =	stream.linear.scatter [tilespmem:s12], [sflag:$0x1], $0x10, $0x38;
	[tilespmem:$0x2080] =	vst v63  }
0x36: {  	_ =	swait.ge [sflag:s4], $0x10  }
0x37: {  	s13 =	sadd.s32 $0xFFFFFFFF, s31;
	[sflag:s4] =	ssyncset.done $0x0  }
.LBB2_1:
0x38: {  	p0 =	sne.s32 s13, $0x1;
	s13 =	sadd.s32 $0xFFFFFFFF, s13;
	[sflag:s4] =	ssyncadd.s32 $0xFFFFFFF0  }
0x39: {  	[tilespmem:s5], [sflag:$0x1] =	stream.linear.gather [hbm4b:s3+s2], $0x800, $0x38;
	[tilespmem:$0x2080] =	vst v63  }
0x3a: {  	_ =	swait.ge [sflag:s4], $0x800  }
0x3b: {  	[sflag:s4] =	ssyncset.done $0x0  }
0x3c: {  	[sflag:s4] =	ssyncadd.s32 $0xFFFFF800  }
0x3d: {  	[tilespmem:s2], [sflag:$0x1] =	stream.linear.gather [hbm4b:s6+s2], $0x800, $0x38;
	[tilespmem:$0x2080] =	vst v63  }
0x3e: {  	_ =	swait.ge [sflag:s4], $0x800  }
0x3f: {  	[sflag:s4] =	ssyncset.done $0x0  }
0x40: {  	[sflag:s4] =	ssyncadd.s32 $0xFFFFF800  }
0x41: {  	[tilespmem:s8], [sflag:$0x1] =	stream.linear.gather [hbm4b:s7+s2], $0x800, $0x38;
	[tilespmem:$0x2080] =	vst v63  }
0x42: {  	_ =	swait.ge [sflag:s4], $0x800  }
0x43: {  	[sflag:s4] =	ssyncset.done $0x0  }
0x44: {  	[sflag:s4] =	ssyncadd.s32 $0xFFFFF800  }
0x45: {  	[tilespmem:s10], [sflag:$0x1] =	stream.linear.gather [hbm4b:s9+s2], $0x800, $0x38;
	[tilespmem:$0x2080] =	vst v63  }
0x46: {  	_ =	swait.ge [sflag:s4], $0x800  }
0x47: {  	[sflag:s4] =	ssyncset.done $0x0  }
0x48: {  	[sflag:s4] =	ssyncadd.s32 $0xFFFFF800  }
0x49: {  	v8 =	vld.idx.msk [tilespmem:v0+s2+$0x0], $0xffff;
	_ =	sdelay $0x2  }
0x4a: {  	v9 =	vld.idx.msk [tilespmem:v2+s10+$0x0], $0xffff  }
0x4b: {  	v10 =	vld.idx.msk [tilespmem:v3+s5+$0x0], $0xffff  }
0x4c: {  	v11 =	vld.idx.msk [tilespmem:v4+s10+$0x0], $0xffff  }
0x4d: {  	v8 =	vshll.u32 v8, $0x2;
	v12 =	vld.idx.msk [tilespmem:v7+s5+$0x0], $0xffff  }
0x4e: {  	v14 =	vor.u32 $0x1, v8;
	v15 =	vor.u32 $0x2, v8;
	v16 =	vor.u32 $0x3, v8;
	v13 =	vld.idx.msk [tilespmem:v5+s10+$0x0], $0xffff  }
0x4f: {  	v17 =	vld.idx.msk [tilespmem:v6+s5+$0x0], $0xffff  }
0x50: {  	v18 =	vld.idx.msk [tilespmem:v1+s10+$0x0], $0xffff  }
0x51: {  	v9 =	vsub.f32 v10, v9;
	v19 =	vld.idx.msk [tilespmem:v0+s5+$0x0], $0xffff  }
0x52: {  	v8 =	vld.idx.msk [tilespmem:v8+s10+$0x0], $0xffff  }
0x53: {  	v11 =	vsub.f32 v12, v11;
	v14 =	vld.idx.msk [tilespmem:v14+s10+$0x0], $0xffff  }
0x54: {  	v15 =	vld.idx.msk [tilespmem:v15+s10+$0x0], $0xffff  }
0x55: {  	v13 =	vsub.f32 v17, v13;
	v16 =	vld.idx.msk [tilespmem:v16+s10+$0x0], $0xffff;
	_ =	sdelay $0x1  }
0x56: {  	v18 =	vsub.f32 v19, v18;
	v20 =	vld.idx.msk [tilespmem:v0+s8+$0x0], $0xffff  }
0x57: {  	v8 =	vsub.f32 v19, v8  }
0x58: {  	v9 =	vand.u32 $0x7FFFFFFF, v9;
	v13 =	vand.u32 $0x7FFFFFFF, v13;
	v14 =	vsub.f32 v17, v14  }
0x59: {  	v17 =	vand.u32 $0x7FFFFFFF, v18;
	v8 =	vand.u32 $0x7FFFFFFF, v8;
	v12 =	vsub.f32 v12, v15  }
0x5a: {  	v8 =	vsub.f32 v17, v8;
	v14 =	vand.u32 $0x7FFFFFFF, v14;
	v10 =	vsub.f32 v10, v16  }
0x5b: {  	v11 =	vand.u32 $0x7FFFFFFF, v11;
	v13 =	vsub.f32 v13, v14;
	v12 =	vand.u32 $0x7FFFFFFF, v12  }
0x5c: {  	v8 =	vmul.f32 v8, v20;
	v11 =	vsub.f32 v11, v12;
	v10 =	vand.u32 $0x7FFFFFFF, v10  }
0x5d: {  	v9 =	vsub.f32 v9, v10  }
0x5e: {  	v10 =	vmul.f32 v13, v20;
	v8 =	vadd.f32 $0.0e+00, v8;
	_ =	sdelay $0x1  }
0x5f: {  	v8 =	vadd.f32 v10, v8;
	v10 =	vmul.f32 v11, v20;
	_ =	sdelay $0x1  }
0x60: {  	v9 =	vmul.f32 v9, v20;
	v8 =	vadd.f32 v10, v8;
	_ =	sdelay $0x1  }
0x61: {  	v8 =	vadd.f32 v9, v8  }
.Ltmp1:
0x62: {  	(pc) =	sbr.rel @p0 .LBB2_1-.Ltmp1, $4  }
0x63: {  	[tilespmem:$0x2000] =	vst v8  }
0x64: {  	[hbm4b:s11+s2] =	stream.linear.scatter [tilespmem:s12], [sflag:$0x1], $0x10, $0x38;
	[tilespmem:$0x2080] =	vst v63  }
0x65: {  	_ =	swait.ge [sflag:s4], $0x10  }
0x66: {  	[sflag:s4] =	ssyncset.done $0x0  }
.LBB2_2:
0x67: {  	[sflag:s4] =	ssyncadd.s32 $0xFFFFFFF0  }
0x68: {  	_ =	sfence.sel $0x180000  }
0x69: {  	[bflag:$0x0] =	sbarrier.arrive $0xFFFF  }
0x6a: {  	p0 =	sne.s32 s0, $0x0;
	_ =	strace $0x90000047  }
0x6b: {  	s0 =	sadd.s32 @!p0 $0x100000, s1;
	[bflag:$0x2] =	sbarrier.arrive $0xFFFF  }
0x6c: {  	[sflag:s0] =	ssyncadd.tile.s32 @!p0 $0x1;
	_ =	shalt  }
.Lfunc_end2:
_tile_overlayer_lowered:
.L_overlay_start_2:
0x6d: {  	(tag) =	ssettag $0x2  }
0x6e: {  	s0 =	rddreg [dreg:$0x0];
	s2 =	stileid.u32  }
0x6f: {  	s1 =	rddreg [dreg:$0x1];
	p0 =	sne.s32 s2, $0x0  }
0x70: {  	s3 =	rddreg [dreg:$0x2];
	[bflag:$0x3] =	sbarrier.arrive $0xFFFF;
	s2 =	simm.s32 @!p0 $0x1C01  }
0x71: {  	[timem:s3], [sflag:s2] =	dma.local @!p0 [hbm:s0], s1  }
0x72: {  	s0 =	simm.s32 @!p0 $0x1  }
0x73: {  	_ =	swait.ge @!p0 [sflag:s0], s1  }
0x74: {  	s1 =	ssub.s32 @!p0 $0x0, s1;
	[sflag:s0] =	ssyncset.done @!p0 $0x0  }
0x75: {  	[sflag:s0] =	ssyncadd.s32 @!p0 s1  }
0x76: {  	[bflag:$0x3] =	sbarrier.arrive $0xFFFF  }
0x77: {  	_ =	shalt  }

</sc_bundles>
